<compile_context>
chip_gen: v7x
topology: tpu7x:2x2x1
jax: 0.10.2.dev20260603
libtpu: 0.0.44.dev20260713+nightly
codegen_flags: <defaults>
</compile_context>

<pallas_src>
import jax
import jax.numpy as jnp
from jax import lax
from jax.experimental import pallas as pl
from jax.experimental.pallas import tpu as pltpu
from jax.experimental.pallas import tpu_sc as plsc

_N = 10000
_F = 128
_NC = 2
_NS = 16
_NW = _NC * _NS
_CH = 128
_NCHUNK = 80
_NT = 40
_NTH = _NT // 2
_EHALF = _NTH * 256
_EPW = _CH * _NCHUNK
_NPAD = 10240
_RPT = _NPAD // _NS

_MESH = plsc.VectorSubcoreMesh(core_axis_name="c", subcore_axis_name="s")


def _deg_body(dst_hbm, zeros_hbm, ones_hbm, out_hbm, dvm, ones_vm, acc):
    c = lax.axis_index("c")
    s = lax.axis_index("s")
    w = c * _NS + s
    pltpu.sync_copy(zeros_hbm, acc.at[pl.ds(s * _RPT, _RPT)])
    pltpu.sync_copy(ones_hbm, ones_vm)
    pltpu.sync_copy(dst_hbm.at[w], dvm)
    plsc.subcore_barrier()

    @pl.loop(0, _NCHUNK)
    def _chunk(j):
        pltpu.sync_copy(ones_vm, acc.at[dvm.at[j]], add=True)

    plsc.subcore_barrier()
    pltpu.sync_copy(acc.at[pl.ds(s * _RPT, _RPT)],
                    out_hbm.at[c, pl.ds(s * _RPT, _RPT)])


_deg_call = pl.kernel(
    _deg_body,
    out_type=jax.ShapeDtypeStruct((_NC, _NPAD), jnp.float32),
    mesh=_MESH,
    scratch_types=[
        pltpu.VMEM((_NCHUNK, _CH), jnp.int32),
        pltpu.VMEM((_CH,), jnp.float32),
        pltpu.VMEM_SHARED((_NPAD,), jnp.float32),
    ],
)


def _msg_body(xs_hbm, src_hbm, dst_hbm, zrows_hbm, out_hbm,
              svm, dvm, rbuf, acc):
    c = lax.axis_index("c")
    s = lax.axis_index("s")
    w = c * _NS + s
    pltpu.sync_copy(zrows_hbm, acc.at[pl.ds(s * _RPT, _RPT)])
    plsc.subcore_barrier()

    for h in range(2):
        pltpu.sync_copy(src_hbm.at[w, pl.ds(h * _EHALF, _EHALF)], svm)
        pltpu.sync_copy(dst_hbm.at[w, pl.ds(h * _EHALF, _EHALF)], dvm)

        @pl.loop(0, _NTH)
        def _chunk(j):
            sidx = svm.at[pl.ds(j * 256, 256)]
            didx = dvm.at[pl.ds(j * 256, 256)]
            pltpu.sync_copy(xs_hbm.at[sidx], rbuf)
            pltpu.sync_copy(rbuf, acc.at[didx], add=True)

    plsc.subcore_barrier()
    pltpu.sync_copy(acc.at[pl.ds(s * _RPT, _RPT)],
                    out_hbm.at[c, pl.ds(s * _RPT, _RPT)])


_msg_call = pl.kernel(
    _msg_body,
    out_type=jax.ShapeDtypeStruct((_NC, _NPAD, _F), jnp.float32),
    mesh=_MESH,
    scratch_types=[
        pltpu.VMEM((_EHALF,), jnp.int32),
        pltpu.VMEM((_EHALF,), jnp.int32),
        pltpu.VMEM((2 * _CH, _F), jnp.float32),
        pltpu.VMEM_SHARED((_NPAD, _F), jnp.float32),
    ],
)



_BLK = 1000


def _tc_pre_body(x_ref, w_ref, d0_ref, d1_ref, o_ref):
    dinv = lax.rsqrt(d0_ref[...] + d1_ref[...] + 1.0)
    o_ref[...] = jnp.dot(x_ref[...], w_ref[...],
                         preferred_element_type=jnp.float32) * dinv


def _tc_mid_body(a0_ref, a1_ref, xs_ref, d0_ref, d1_ref, b_ref, w_ref, o_ref):
    dinv = lax.rsqrt(d0_ref[...] + d1_ref[...] + 1.0)
    z = dinv * (a0_ref[...] + a1_ref[...] + xs_ref[...]) + b_ref[...]
    h = jnp.maximum(z, 0.0)
    o_ref[...] = jnp.dot(h, w_ref[...],
                         preferred_element_type=jnp.float32) * dinv


def _tc_fin_body(a0_ref, a1_ref, xs_ref, d0_ref, d1_ref, b_ref, o_ref):
    dinv = lax.rsqrt(d0_ref[...] + d1_ref[...] + 1.0)
    o_ref[...] = dinv * (a0_ref[...] + a1_ref[...] + xs_ref[...]) + b_ref[...]


def _row_spec():
    return pl.BlockSpec((_BLK, _F), lambda i: (i, 0))


def _deg_spec():
    return pl.BlockSpec((_BLK, 1), lambda i: (i, 0))


def _full_spec(shape):
    return pl.BlockSpec(shape, lambda i: (0, 0))


_tc_pre = pl.pallas_call(
    _tc_pre_body,
    grid=(_N // _BLK,),
    in_specs=[_row_spec(), _full_spec((_F, _F)), _deg_spec(), _deg_spec()],
    out_specs=_row_spec(),
    out_shape=jax.ShapeDtypeStruct((_N, _F), jnp.float32),
)

_tc_mid = pl.pallas_call(
    _tc_mid_body,
    grid=(_N // _BLK,),
    in_specs=[_row_spec(), _row_spec(), _row_spec(), _deg_spec(), _deg_spec(),
              _full_spec((1, _F)), _full_spec((_F, _F))],
    out_specs=_row_spec(),
    out_shape=jax.ShapeDtypeStruct((_N, _F), jnp.float32),
)

_tc_fin = pl.pallas_call(
    _tc_fin_body,
    grid=(_N // _BLK,),
    in_specs=[_row_spec(), _row_spec(), _row_spec(), _deg_spec(), _deg_spec(),
              _full_spec((1, _F))],
    out_specs=_row_spec(),
    out_shape=jax.ShapeDtypeStruct((_N, _F), jnp.float32),
)


def kernel(x, edge_index, W1, b1, W2, b2):
    src = edge_index[0].astype(jnp.int32)
    dst = edge_index[1].astype(jnp.int32)
    e = src.shape[0]
    epad = _NW * _EPW
    src_flat = jnp.concatenate([src, jnp.zeros((epad - e,), jnp.int32)])
    dst_flat = jnp.concatenate([dst, jnp.full((epad - e,), _N, jnp.int32)])
    src_p = src_flat.reshape(_NW, _EPW)
    dst_p = dst_flat.reshape(_NW, _EPW)
    dst_deg = dst_flat.reshape(_NW, _NCHUNK, _CH)

    zeros1 = jnp.zeros((_RPT,), jnp.float32)
    ones1 = jnp.ones((_CH,), jnp.float32)
    zrows = jnp.zeros((_RPT, _F), jnp.float32)
    b1r = b1.reshape(1, _F)
    b2r = b2.reshape(1, _F)

    deg2 = _deg_call(dst_deg, zeros1, ones1)
    d0 = deg2[0, :_N].reshape(_N, 1)
    d1 = deg2[1, :_N].reshape(_N, 1)

    xs1 = _tc_pre(x, W1, d0, d1)
    acc1 = _msg_call(xs1, src_p, dst_p, zrows)
    xs2 = _tc_mid(acc1[0, :_N], acc1[1, :_N], xs1, d0, d1, b1r, W2)
    acc2 = _msg_call(xs2, src_p, dst_p, zrows)
    return _tc_fin(acc2[0, :_N], acc2[1, :_N], xs2, d0, d1, b2r)

# --- scband reference (transcript-rebuilt; emitter-appended) ---
"""Pipeline reference for scband-community-gnn-56530359550020 (READ-ONLY COPY).

The authoritative reference and input builder live on the scoring server;
editing this copy changes nothing except your own understanding.
"""

import jax, jax.numpy as jnp
import numpy as np

N_NODES = 10000
D_FEAT = 128
HIDDEN = 128
N_EDGES = 320000


def setup_inputs(seed: int = 0) -> dict:
    key = jax.random.key(seed)
    k1, k2, k3, k4, k5, k6 = jax.random.split(key, 6)
    x = jax.random.normal(k1, (N_NODES, D_FEAT), dtype=jnp.float32)
    edge_index = jax.random.randint(k2, (2, N_EDGES), 0, N_NODES, dtype=jnp.int64)
    # GCNConv layer 1 params (Glorot-like scale)
    W1 = jax.random.normal(k3, (D_FEAT, HIDDEN), dtype=jnp.float32) * (1.0 / np.sqrt(D_FEAT))
    b1 = jnp.zeros((HIDDEN,), dtype=jnp.float32)
    # GCNConv layer 2 params
    W2 = jax.random.normal(k4, (HIDDEN, HIDDEN), dtype=jnp.float32) * (1.0 / np.sqrt(HIDDEN))
    b2 = jnp.zeros((HIDDEN,), dtype=jnp.float32)
    return {"x": x, "edge_index": edge_index, "W1": W1, "b1": b1, "W2": W2, "b2": b2}


def _gcn_conv(x, src, dst, W, b, n_nodes):
    # PyG GCNConv with add_self_loops=True and symmetric normalization:
    # out[i] = sum_{j -> i} (deg_i^-1/2 * deg_j^-1/2) * (x_j @ W) + b
    deg = jnp.zeros((n_nodes,), dtype=x.dtype).at[dst].add(1.0)
    dinv = jnp.where(deg > 0, deg ** -0.5, 0.0)
    norm = dinv[src] * dinv[dst]
    xw = x @ W
    msg = jnp.take(xw, src, axis=0) * norm[:, None]
    out = jnp.zeros((n_nodes, W.shape[1]), dtype=x.dtype).at[dst].add(msg)
    return out + b


def reference(x, edge_index, W1, b1, W2, b2):
    n_nodes = x.shape[0]
    self_loop = jnp.arange(n_nodes, dtype=edge_index.dtype)
    src = jnp.concatenate([edge_index[0], self_loop])
    dst = jnp.concatenate([edge_index[1], self_loop])
    h = _gcn_conv(x, src, dst, W1, b1, n_nodes)
    h = jax.nn.relu(h)
    h = _gcn_conv(h, src, dst, W2, b2, n_nodes)
    return h

if __name__ == "__main__":
    import jax
    _d = setup_inputs()
    print(jax.jit(kernel)(*tuple(_d.values())))

</pallas_src>

<mosaic_0001>
#map = affine_map<(d0, d1) -> (0, 0)>
#map1 = affine_map<(d0, d1) -> (0, 0, 0)>
module attributes {stable_mosaic.version = 14 : i64} {
  func.func @_msg_body(%arg0: i32, %arg1: i32, %arg2: memref<10000x128xf32, #tpu.memory_space<hbm>>, %arg3: memref<32x10240xi32, #tpu.memory_space<hbm>>, %arg4: memref<32x10240xi32, #tpu.memory_space<hbm>>, %arg5: memref<640x128xf32, #tpu.memory_space<hbm>>, %arg6: memref<2x10240x128xf32, #tpu.memory_space<hbm>>, %arg7: memref<5120xi32, #tpu.memory_space<vmem>>, %arg8: memref<5120xi32, #tpu.memory_space<vmem>>, %arg9: memref<256x128xf32, #tpu.memory_space<vmem>>, %arg10: memref<10240x128xf32, #tpu.memory_space<vmem_shared>>) attributes {dimension_semantics = [#tpu.dimension_semantics<core_parallel>, #tpu.dimension_semantics<subcore_parallel>], iteration_bounds = array<i64: 2, 16>, scalar_prefetch = 0 : i64, scratch_operands = 4 : i64, tpu.core_type = #tpu.core_type<sc_vector_subcore>, window_params = [{transform_indices = #map}, {transform_indices = #map}, {transform_indices = #map}, {transform_indices = #map}, {transform_indices = #map1}]} {
    %mul3A = arith.constant 16 : i32
    %mul3A_0 = arith.muli %arg0, %mul3A : i32
    %add3A = arith.addi %mul3A_0, %arg1 : i32
    %mul3A_1 = arith.constant 640 : i32
    %mul3A_2 = arith.muli %arg1, %mul3A_1 : i32
    "tpu.region"() ({
      %run_scoped3A = tpu.sem_alloc : memref<!tpu.dma_semaphore, #tpu.memory_space<semaphore_mem>>
      %dma_start3A = arith.constant 0 : i32
      %dma_start3A_17 = tpu.memref_slice %arg10[%mul3A_2, %dma_start3A] : memref<10240x128xf32, #tpu.memory_space<vmem_shared>> -> memref<640x128xf32, #tpu.memory_space<vmem_shared>>
      tpu.enqueue_dma source(%arg5 : memref<640x128xf32, #tpu.memory_space<hbm>>) target(%dma_start3A_17 : memref<640x128xf32, #tpu.memory_space<vmem_shared>>) target_semaphore(%run_scoped3A : memref<!tpu.dma_semaphore, #tpu.memory_space<semaphore_mem>>)
      %dma_wait3A = arith.constant 0 : i32
      %dma_wait3A_18 = tpu.memref_slice %arg10[%mul3A_2, %dma_wait3A] : memref<10240x128xf32, #tpu.memory_space<vmem_shared>> -> memref<640x128xf32, #tpu.memory_space<vmem_shared>>
      tpu.wait_dma2 semaphore(%run_scoped3A : memref<!tpu.dma_semaphore, #tpu.memory_space<semaphore_mem>>) src(%arg5 : memref<640x128xf32, #tpu.memory_space<hbm>>) dst(%dma_wait3A_18 : memref<640x128xf32, #tpu.memory_space<vmem_shared>>)
      tpu.yield
    }) : () -> ()
    %barrier3A = arith.constant 0 : index
    tpu.barrier barrier_id(%barrier3A)
    "tpu.region"() ({
      %run_scoped3A = tpu.sem_alloc : memref<!tpu.dma_semaphore, #tpu.memory_space<semaphore_mem>>
      %dma_start3A = arith.constant 0 : i32
      %dma_start3A_17 = tpu.memref_slice %arg3[%add3A, %dma_start3A] : memref<32x10240xi32, #tpu.memory_space<hbm>> -> memref<1x5120xi32, #tpu.memory_space<hbm>>
      %dma_start3A_18 = tpu.memref_squeeze %dma_start3A_17 : memref<1x5120xi32, #tpu.memory_space<hbm>> -> memref<5120xi32, #tpu.memory_space<hbm>>
      %dma_start3A_19 = arith.constant 0 : i32
      %dma_start3A_20 = tpu.memref_slice %arg3[%add3A, %dma_start3A_19] : memref<32x10240xi32, #tpu.memory_space<hbm>> -> memref<1x5120xi32, #tpu.memory_space<hbm>>
      %dma_start3A_21 = tpu.memref_squeeze %dma_start3A_20 : memref<1x5120xi32, #tpu.memory_space<hbm>> -> memref<5120xi32, #tpu.memory_space<hbm>>
      tpu.enqueue_dma source(%dma_start3A_21 : memref<5120xi32, #tpu.memory_space<hbm>>) target(%arg7 : memref<5120xi32, #tpu.memory_space<vmem>>) target_semaphore(%run_scoped3A : memref<!tpu.dma_semaphore, #tpu.memory_space<semaphore_mem>>)
      %dma_wait3A = arith.constant 0 : i32
      %dma_wait3A_22 = tpu.memref_slice %arg3[%add3A, %dma_wait3A] : memref<32x10240xi32, #tpu.memory_space<hbm>> -> memref<1x5120xi32, #tpu.memory_space<hbm>>
      %dma_wait3A_23 = tpu.memref_squeeze %dma_wait3A_22 : memref<1x5120xi32, #tpu.memory_space<hbm>> -> memref<5120xi32, #tpu.memory_space<hbm>>
      %dma_wait3A_24 = arith.constant 0 : i32
      %dma_wait3A_25 = tpu.memref_slice %arg3[%add3A, %dma_wait3A_24] : memref<32x10240xi32, #tpu.memory_space<hbm>> -> memref<1x5120xi32, #tpu.memory_space<hbm>>
      %dma_wait3A_26 = tpu.memref_squeeze %dma_wait3A_25 : memref<1x5120xi32, #tpu.memory_space<hbm>> -> memref<5120xi32, #tpu.memory_space<hbm>>
      tpu.wait_dma2 semaphore(%run_scoped3A : memref<!tpu.dma_semaphore, #tpu.memory_space<semaphore_mem>>) src(%dma_wait3A_26 : memref<5120xi32, #tpu.memory_space<hbm>>) dst(%arg7 : memref<5120xi32, #tpu.memory_space<vmem>>)
      tpu.yield
    }) : () -> ()
    "tpu.region"() ({
      %run_scoped3A = tpu.sem_alloc : memref<!tpu.dma_semaphore, #tpu.memory_space<semaphore_mem>>
      %dma_start3A = arith.constant 0 : i32
      %dma_start3A_17 = tpu.memref_slice %arg4[%add3A, %dma_start3A] : memref<32x10240xi32, #tpu.memory_space<hbm>> -> memref<1x5120xi32, #tpu.memory_space<hbm>>
      %dma_start3A_18 = tpu.memref_squeeze %dma_start3A_17 : memref<1x5120xi32, #tpu.memory_space<hbm>> -> memref<5120xi32, #tpu.memory_space<hbm>>
      %dma_start3A_19 = arith.constant 0 : i32
      %dma_start3A_20 = tpu.memref_slice %arg4[%add3A, %dma_start3A_19] : memref<32x10240xi32, #tpu.memory_space<hbm>> -> memref<1x5120xi32, #tpu.memory_space<hbm>>
      %dma_start3A_21 = tpu.memref_squeeze %dma_start3A_20 : memref<1x5120xi32, #tpu.memory_space<hbm>> -> memref<5120xi32, #tpu.memory_space<hbm>>
      tpu.enqueue_dma source(%dma_start3A_21 : memref<5120xi32, #tpu.memory_space<hbm>>) target(%arg8 : memref<5120xi32, #tpu.memory_space<vmem>>) target_semaphore(%run_scoped3A : memref<!tpu.dma_semaphore, #tpu.memory_space<semaphore_mem>>)
      %dma_wait3A = arith.constant 0 : i32
      %dma_wait3A_22 = tpu.memref_slice %arg4[%add3A, %dma_wait3A] : memref<32x10240xi32, #tpu.memory_space<hbm>> -> memref<1x5120xi32, #tpu.memory_space<hbm>>
      %dma_wait3A_23 = tpu.memref_squeeze %dma_wait3A_22 : memref<1x5120xi32, #tpu.memory_space<hbm>> -> memref<5120xi32, #tpu.memory_space<hbm>>
      %dma_wait3A_24 = arith.constant 0 : i32
      %dma_wait3A_25 = tpu.memref_slice %arg4[%add3A, %dma_wait3A_24] : memref<32x10240xi32, #tpu.memory_space<hbm>> -> memref<1x5120xi32, #tpu.memory_space<hbm>>
      %dma_wait3A_26 = tpu.memref_squeeze %dma_wait3A_25 : memref<1x5120xi32, #tpu.memory_space<hbm>> -> memref<5120xi32, #tpu.memory_space<hbm>>
      tpu.wait_dma2 semaphore(%run_scoped3A : memref<!tpu.dma_semaphore, #tpu.memory_space<semaphore_mem>>) src(%dma_wait3A_26 : memref<5120xi32, #tpu.memory_space<hbm>>) dst(%arg8 : memref<5120xi32, #tpu.memory_space<vmem>>)
      tpu.yield
    }) : () -> ()
    %scan3A = arith.constant 0 : i32
    %scan3A_3 = arith.constant 20 : i32
    %scan3A_4 = arith.addi %scan3A, %scan3A_3 : i32
    %scan3A_5 = arith.constant 1 : i32
    scf.for %scan3A_17 = %scan3A to %scan3A_4 step %scan3A_5  : i32 {
      %mul3A_18 = arith.constant 1 : i32
      %mul3A_19 = arith.muli %scan3A_17, %mul3A_18 : i32
      %add3A_20 = arith.constant 0 : i32
      %add3A_21 = arith.addi %add3A_20, %mul3A_19 : i32
      %mul3A_22 = arith.constant 256 : i32
      %mul3A_23 = arith.muli %add3A_21, %mul3A_22 : i32
      %mul3A_24 = arith.constant 256 : i32
      %mul3A_25 = arith.muli %add3A_21, %mul3A_24 : i32
      "tpu.region"() ({
        %run_scoped3A = tpu.sem_alloc : memref<!tpu.dma_semaphore, #tpu.memory_space<semaphore_mem>>
        %dma_start3A = tpu.memref_slice %arg7[%mul3A_23] : memref<5120xi32, #tpu.memory_space<vmem>> -> memref<256xi32, #tpu.memory_space<vmem>>
        %dma_start3A_26 = arith.constant 0 : i32
        %dma_start3A_27 = arith.constant 0 : i32
        %dma_start3A_28 = tpu.memref_slice %arg2[%dma_start3A_26, %dma_start3A_27] : memref<10000x128xf32, #tpu.memory_space<hbm>> -> memref<10000x128xf32, #tpu.memory_space<hbm>>
        tpu.enqueue_indirect_dma source(%dma_start3A_28 : memref<10000x128xf32, #tpu.memory_space<hbm>>) target(%arg9 : memref<256x128xf32, #tpu.memory_space<vmem>>) offsets(%dma_start3A : memref<256xi32, #tpu.memory_space<vmem>>) semaphore(%run_scoped3A : memref<!tpu.dma_semaphore, #tpu.memory_space<semaphore_mem>>)
        %dma_wait3A = tpu.memref_slice %arg7[%mul3A_23] : memref<5120xi32, #tpu.memory_space<vmem>> -> memref<256xi32, #tpu.memory_space<vmem>>
        %dma_wait3A_29 = arith.constant 0 : i32
        %dma_wait3A_30 = arith.constant 0 : i32
        %dma_wait3A_31 = tpu.memref_slice %arg2[%dma_wait3A_29, %dma_wait3A_30] : memref<10000x128xf32, #tpu.memory_space<hbm>> -> memref<10000x128xf32, #tpu.memory_space<hbm>>
        tpu.wait_indirect_dma semaphore(%run_scoped3A : memref<!tpu.dma_semaphore, #tpu.memory_space<semaphore_mem>>) src(%dma_wait3A_31 : memref<10000x128xf32, #tpu.memory_space<hbm>>) dst(%arg9 : memref<256x128xf32, #tpu.memory_space<vmem>>)
        tpu.yield
      }) : () -> ()
      "tpu.region"() ({
        %run_scoped3A = tpu.sem_alloc : memref<!tpu.dma_semaphore, #tpu.memory_space<semaphore_mem>>
        %dma_start3A = tpu.memref_slice %arg8[%mul3A_25] : memref<5120xi32, #tpu.memory_space<vmem>> -> memref<256xi32, #tpu.memory_space<vmem>>
        %dma_start3A_26 = arith.constant 0 : i32
        %dma_start3A_27 = arith.constant 0 : i32
        %dma_start3A_28 = tpu.memref_slice %arg10[%dma_start3A_26, %dma_start3A_27] : memref<10240x128xf32, #tpu.memory_space<vmem_shared>> -> memref<10240x128xf32, #tpu.memory_space<vmem_shared>>
        tpu.enqueue_indirect_dma source(%arg9 : memref<256x128xf32, #tpu.memory_space<vmem>>) target(%dma_start3A_28 : memref<10240x128xf32, #tpu.memory_space<vmem_shared>>) offsets(%dma_start3A : memref<256xi32, #tpu.memory_space<vmem>>) semaphore(%run_scoped3A : memref<!tpu.dma_semaphore, #tpu.memory_space<semaphore_mem>>) {add = true}
        %dma_wait3A = tpu.memref_slice %arg8[%mul3A_25] : memref<5120xi32, #tpu.memory_space<vmem>> -> memref<256xi32, #tpu.memory_space<vmem>>
        %dma_wait3A_29 = arith.constant 0 : i32
        %dma_wait3A_30 = arith.constant 0 : i32
        %dma_wait3A_31 = tpu.memref_slice %arg10[%dma_wait3A_29, %dma_wait3A_30] : memref<10240x128xf32, #tpu.memory_space<vmem_shared>> -> memref<10240x128xf32, #tpu.memory_space<vmem_shared>>
        tpu.wait_indirect_dma semaphore(%run_scoped3A : memref<!tpu.dma_semaphore, #tpu.memory_space<semaphore_mem>>) src(%arg9 : memref<256x128xf32, #tpu.memory_space<vmem>>) dst(%dma_wait3A_31 : memref<10240x128xf32, #tpu.memory_space<vmem_shared>>)
        tpu.yield
      }) : () -> ()
    }
    %scan3A_6 = arith.constant 20 : i32
    "tpu.region"() ({
      %run_scoped3A = tpu.sem_alloc : memref<!tpu.dma_semaphore, #tpu.memory_space<semaphore_mem>>
      %dma_start3A = arith.constant 5120 : i32
      %dma_start3A_17 = tpu.memref_slice %arg3[%add3A, %dma_start3A] : memref<32x10240xi32, #tpu.memory_space<hbm>> -> memref<1x5120xi32, #tpu.memory_space<hbm>>
      %dma_start3A_18 = tpu.memref_squeeze %dma_start3A_17 : memref<1x5120xi32, #tpu.memory_space<hbm>> -> memref<5120xi32, #tpu.memory_space<hbm>>
      %dma_start3A_19 = arith.constant 5120 : i32
      %dma_start3A_20 = tpu.memref_slice %arg3[%add3A, %dma_start3A_19] : memref<32x10240xi32, #tpu.memory_space<hbm>> -> memref<1x5120xi32, #tpu.memory_space<hbm>>
      %dma_start3A_21 = tpu.memref_squeeze %dma_start3A_20 : memref<1x5120xi32, #tpu.memory_space<hbm>> -> memref<5120xi32, #tpu.memory_space<hbm>>
      tpu.enqueue_dma source(%dma_start3A_21 : memref<5120xi32, #tpu.memory_space<hbm>>) target(%arg7 : memref<5120xi32, #tpu.memory_space<vmem>>) target_semaphore(%run_scoped3A : memref<!tpu.dma_semaphore, #tpu.memory_space<semaphore_mem>>)
      %dma_wait3A = arith.constant 5120 : i32
      %dma_wait3A_22 = tpu.memref_slice %arg3[%add3A, %dma_wait3A] : memref<32x10240xi32, #tpu.memory_space<hbm>> -> memref<1x5120xi32, #tpu.memory_space<hbm>>
      %dma_wait3A_23 = tpu.memref_squeeze %dma_wait3A_22 : memref<1x5120xi32, #tpu.memory_space<hbm>> -> memref<5120xi32, #tpu.memory_space<hbm>>
      %dma_wait3A_24 = arith.constant 5120 : i32
      %dma_wait3A_25 = tpu.memref_slice %arg3[%add3A, %dma_wait3A_24] : memref<32x10240xi32, #tpu.memory_space<hbm>> -> memref<1x5120xi32, #tpu.memory_space<hbm>>
      %dma_wait3A_26 = tpu.memref_squeeze %dma_wait3A_25 : memref<1x5120xi32, #tpu.memory_space<hbm>> -> memref<5120xi32, #tpu.memory_space<hbm>>
      tpu.wait_dma2 semaphore(%run_scoped3A : memref<!tpu.dma_semaphore, #tpu.memory_space<semaphore_mem>>) src(%dma_wait3A_26 : memref<5120xi32, #tpu.memory_space<hbm>>) dst(%arg7 : memref<5120xi32, #tpu.memory_space<vmem>>)
      tpu.yield
    }) : () -> ()
    "tpu.region"() ({
      %run_scoped3A = tpu.sem_alloc : memref<!tpu.dma_semaphore, #tpu.memory_space<semaphore_mem>>
      %dma_start3A = arith.constant 5120 : i32
      %dma_start3A_17 = tpu.memref_slice %arg4[%add3A, %dma_start3A] : memref<32x10240xi32, #tpu.memory_space<hbm>> -> memref<1x5120xi32, #tpu.memory_space<hbm>>
      %dma_start3A_18 = tpu.memref_squeeze %dma_start3A_17 : memref<1x5120xi32, #tpu.memory_space<hbm>> -> memref<5120xi32, #tpu.memory_space<hbm>>
      %dma_start3A_19 = arith.constant 5120 : i32
      %dma_start3A_20 = tpu.memref_slice %arg4[%add3A, %dma_start3A_19] : memref<32x10240xi32, #tpu.memory_space<hbm>> -> memref<1x5120xi32, #tpu.memory_space<hbm>>
      %dma_start3A_21 = tpu.memref_squeeze %dma_start3A_20 : memref<1x5120xi32, #tpu.memory_space<hbm>> -> memref<5120xi32, #tpu.memory_space<hbm>>
      tpu.enqueue_dma source(%dma_start3A_21 : memref<5120xi32, #tpu.memory_space<hbm>>) target(%arg8 : memref<5120xi32, #tpu.memory_space<vmem>>) target_semaphore(%run_scoped3A : memref<!tpu.dma_semaphore, #tpu.memory_space<semaphore_mem>>)
      %dma_wait3A = arith.constant 5120 : i32
      %dma_wait3A_22 = tpu.memref_slice %arg4[%add3A, %dma_wait3A] : memref<32x10240xi32, #tpu.memory_space<hbm>> -> memref<1x5120xi32, #tpu.memory_space<hbm>>
      %dma_wait3A_23 = tpu.memref_squeeze %dma_wait3A_22 : memref<1x5120xi32, #tpu.memory_space<hbm>> -> memref<5120xi32, #tpu.memory_space<hbm>>
      %dma_wait3A_24 = arith.constant 5120 : i32
      %dma_wait3A_25 = tpu.memref_slice %arg4[%add3A, %dma_wait3A_24] : memref<32x10240xi32, #tpu.memory_space<hbm>> -> memref<1x5120xi32, #tpu.memory_space<hbm>>
      %dma_wait3A_26 = tpu.memref_squeeze %dma_wait3A_25 : memref<1x5120xi32, #tpu.memory_space<hbm>> -> memref<5120xi32, #tpu.memory_space<hbm>>
      tpu.wait_dma2 semaphore(%run_scoped3A : memref<!tpu.dma_semaphore, #tpu.memory_space<semaphore_mem>>) src(%dma_wait3A_26 : memref<5120xi32, #tpu.memory_space<hbm>>) dst(%arg8 : memref<5120xi32, #tpu.memory_space<vmem>>)
      tpu.yield
    }) : () -> ()
    %scan3A_7 = arith.constant 0 : i32
    %scan3A_8 = arith.constant 20 : i32
    %scan3A_9 = arith.addi %scan3A_7, %scan3A_8 : i32
    %scan3A_10 = arith.constant 1 : i32
    scf.for %scan3A_17 = %scan3A_7 to %scan3A_9 step %scan3A_10  : i32 {
      %mul3A_18 = arith.constant 1 : i32
      %mul3A_19 = arith.muli %scan3A_17, %mul3A_18 : i32
      %add3A_20 = arith.constant 0 : i32
      %add3A_21 = arith.addi %add3A_20, %mul3A_19 : i32
      %mul3A_22 = arith.constant 256 : i32
      %mul3A_23 = arith.muli %add3A_21, %mul3A_22 : i32
      %mul3A_24 = arith.constant 256 : i32
      %mul3A_25 = arith.muli %add3A_21, %mul3A_24 : i32
      "tpu.region"() ({
        %run_scoped3A = tpu.sem_alloc : memref<!tpu.dma_semaphore, #tpu.memory_space<semaphore_mem>>
        %dma_start3A = tpu.memref_slice %arg7[%mul3A_23] : memref<5120xi32, #tpu.memory_space<vmem>> -> memref<256xi32, #tpu.memory_space<vmem>>
        %dma_start3A_26 = arith.constant 0 : i32
        %dma_start3A_27 = arith.constant 0 : i32
        %dma_start3A_28 = tpu.memref_slice %arg2[%dma_start3A_26, %dma_start3A_27] : memref<10000x128xf32, #tpu.memory_space<hbm>> -> memref<10000x128xf32, #tpu.memory_space<hbm>>
        tpu.enqueue_indirect_dma source(%dma_start3A_28 : memref<10000x128xf32, #tpu.memory_space<hbm>>) target(%arg9 : memref<256x128xf32, #tpu.memory_space<vmem>>) offsets(%dma_start3A : memref<256xi32, #tpu.memory_space<vmem>>) semaphore(%run_scoped3A : memref<!tpu.dma_semaphore, #tpu.memory_space<semaphore_mem>>)
        %dma_wait3A = tpu.memref_slice %arg7[%mul3A_23] : memref<5120xi32, #tpu.memory_space<vmem>> -> memref<256xi32, #tpu.memory_space<vmem>>
        %dma_wait3A_29 = arith.constant 0 : i32
        %dma_wait3A_30 = arith.constant 0 : i32
        %dma_wait3A_31 = tpu.memref_slice %arg2[%dma_wait3A_29, %dma_wait3A_30] : memref<10000x128xf32, #tpu.memory_space<hbm>> -> memref<10000x128xf32, #tpu.memory_space<hbm>>
        tpu.wait_indirect_dma semaphore(%run_scoped3A : memref<!tpu.dma_semaphore, #tpu.memory_space<semaphore_mem>>) src(%dma_wait3A_31 : memref<10000x128xf32, #tpu.memory_space<hbm>>) dst(%arg9 : memref<256x128xf32, #tpu.memory_space<vmem>>)
        tpu.yield
      }) : () -> ()
      "tpu.region"() ({
        %run_scoped3A = tpu.sem_alloc : memref<!tpu.dma_semaphore, #tpu.memory_space<semaphore_mem>>
        %dma_start3A = tpu.memref_slice %arg8[%mul3A_25] : memref<5120xi32, #tpu.memory_space<vmem>> -> memref<256xi32, #tpu.memory_space<vmem>>
        %dma_start3A_26 = arith.constant 0 : i32
        %dma_start3A_27 = arith.constant 0 : i32
        %dma_start3A_28 = tpu.memref_slice %arg10[%dma_start3A_26, %dma_start3A_27] : memref<10240x128xf32, #tpu.memory_space<vmem_shared>> -> memref<10240x128xf32, #tpu.memory_space<vmem_shared>>
        tpu.enqueue_indirect_dma source(%arg9 : memref<256x128xf32, #tpu.memory_space<vmem>>) target(%dma_start3A_28 : memref<10240x128xf32, #tpu.memory_space<vmem_shared>>) offsets(%dma_start3A : memref<256xi32, #tpu.memory_space<vmem>>) semaphore(%run_scoped3A : memref<!tpu.dma_semaphore, #tpu.memory_space<semaphore_mem>>) {add = true}
        %dma_wait3A = tpu.memref_slice %arg8[%mul3A_25] : memref<5120xi32, #tpu.memory_space<vmem>> -> memref<256xi32, #tpu.memory_space<vmem>>
        %dma_wait3A_29 = arith.constant 0 : i32
        %dma_wait3A_30 = arith.constant 0 : i32
        %dma_wait3A_31 = tpu.memref_slice %arg10[%dma_wait3A_29, %dma_wait3A_30] : memref<10240x128xf32, #tpu.memory_space<vmem_shared>> -> memref<10240x128xf32, #tpu.memory_space<vmem_shared>>
        tpu.wait_indirect_dma semaphore(%run_scoped3A : memref<!tpu.dma_semaphore, #tpu.memory_space<semaphore_mem>>) src(%arg9 : memref<256x128xf32, #tpu.memory_space<vmem>>) dst(%dma_wait3A_31 : memref<10240x128xf32, #tpu.memory_space<vmem_shared>>)
        tpu.yield
      }) : () -> ()
    }
    %scan3A_11 = arith.constant 20 : i32
    %barrier3A_12 = arith.constant 0 : index
    tpu.barrier barrier_id(%barrier3A_12)
    %mul3A_13 = arith.constant 640 : i32
    %mul3A_14 = arith.muli %arg1, %mul3A_13 : i32
    %mul3A_15 = arith.constant 640 : i32
    %mul3A_16 = arith.muli %arg1, %mul3A_15 : i32
    "tpu.region"() ({
      %run_scoped3A = tpu.sem_alloc : memref<!tpu.dma_semaphore, #tpu.memory_space<semaphore_mem>>
      %dma_start3A = arith.constant 0 : i32
      %dma_start3A_17 = tpu.memref_slice %arg6[%arg0, %mul3A_16, %dma_start3A] : memref<2x10240x128xf32, #tpu.memory_space<hbm>> -> memref<1x640x128xf32, #tpu.memory_space<hbm>>
      %dma_start3A_18 = tpu.memref_squeeze %dma_start3A_17 : memref<1x640x128xf32, #tpu.memory_space<hbm>> -> memref<640x128xf32, #tpu.memory_space<hbm>>
      %dma_start3A_19 = arith.constant 0 : i32
      %dma_start3A_20 = tpu.memref_slice %arg10[%mul3A_14, %dma_start3A_19] : memref<10240x128xf32, #tpu.memory_space<vmem_shared>> -> memref<640x128xf32, #tpu.memory_space<vmem_shared>>
      tpu.enqueue_dma source(%dma_start3A_20 : memref<640x128xf32, #tpu.memory_space<vmem_shared>>) target(%dma_start3A_18 : memref<640x128xf32, #tpu.memory_space<hbm>>) target_semaphore(%run_scoped3A : memref<!tpu.dma_semaphore, #tpu.memory_space<semaphore_mem>>)
      %dma_wait3A = arith.constant 0 : i32
      %dma_wait3A_21 = tpu.memref_slice %arg6[%arg0, %mul3A_16, %dma_wait3A] : memref<2x10240x128xf32, #tpu.memory_space<hbm>> -> memref<1x640x128xf32, #tpu.memory_space<hbm>>
      %dma_wait3A_22 = tpu.memref_squeeze %dma_wait3A_21 : memref<1x640x128xf32, #tpu.memory_space<hbm>> -> memref<640x128xf32, #tpu.memory_space<hbm>>
      %dma_wait3A_23 = arith.constant 0 : i32
      %dma_wait3A_24 = tpu.memref_slice %arg10[%mul3A_14, %dma_wait3A_23] : memref<10240x128xf32, #tpu.memory_space<vmem_shared>> -> memref<640x128xf32, #tpu.memory_space<vmem_shared>>
      tpu.wait_dma2 semaphore(%run_scoped3A : memref<!tpu.dma_semaphore, #tpu.memory_space<semaphore_mem>>) src(%dma_wait3A_24 : memref<640x128xf32, #tpu.memory_space<vmem_shared>>) dst(%dma_wait3A_22 : memref<640x128xf32, #tpu.memory_space<hbm>>)
      tpu.yield
    }) : () -> ()
    return
  }
}

#map = affine_map<(d0, d1) -> (0, 0, 0)>
#map1 = affine_map<(d0, d1) -> (0)>
#map2 = affine_map<(d0, d1) -> (0, 0)>
module attributes {stable_mosaic.version = 14 : i64} {
  func.func @_deg_body(%arg0: i32, %arg1: i32, %arg2: memref<32x80x128xi32, #tpu.memory_space<hbm>>, %arg3: memref<640xf32, #tpu.memory_space<hbm>>, %arg4: memref<128xf32, #tpu.memory_space<hbm>>, %arg5: memref<2x10240xf32, #tpu.memory_space<hbm>>, %arg6: memref<80x128xi32, #tpu.memory_space<vmem>>, %arg7: memref<128xf32, #tpu.memory_space<vmem>>, %arg8: memref<10240xf32, #tpu.memory_space<vmem_shared>>) attributes {dimension_semantics = [#tpu.dimension_semantics<core_parallel>, #tpu.dimension_semantics<subcore_parallel>], iteration_bounds = array<i64: 2, 16>, scalar_prefetch = 0 : i64, scratch_operands = 3 : i64, tpu.core_type = #tpu.core_type<sc_vector_subcore>, window_params = [{transform_indices = #map}, {transform_indices = #map1}, {transform_indices = #map1}, {transform_indices = #map2}]} {
    %mul3A = arith.constant 16 : i32
    %mul3A_0 = arith.muli %arg0, %mul3A : i32
    %add3A = arith.addi %mul3A_0, %arg1 : i32
    %mul3A_1 = arith.constant 640 : i32
    %mul3A_2 = arith.muli %arg1, %mul3A_1 : i32
    "tpu.region"() ({
      %run_scoped3A = tpu.sem_alloc : memref<!tpu.dma_semaphore, #tpu.memory_space<semaphore_mem>>
      %dma_start3A = tpu.memref_slice %arg8[%mul3A_2] : memref<10240xf32, #tpu.memory_space<vmem_shared>> -> memref<640xf32, #tpu.memory_space<vmem_shared>>
      tpu.enqueue_dma source(%arg3 : memref<640xf32, #tpu.memory_space<hbm>>) target(%dma_start3A : memref<640xf32, #tpu.memory_space<vmem_shared>>) target_semaphore(%run_scoped3A : memref<!tpu.dma_semaphore, #tpu.memory_space<semaphore_mem>>)
      %dma_wait3A = tpu.memref_slice %arg8[%mul3A_2] : memref<10240xf32, #tpu.memory_space<vmem_shared>> -> memref<640xf32, #tpu.memory_space<vmem_shared>>
      tpu.wait_dma2 semaphore(%run_scoped3A : memref<!tpu.dma_semaphore, #tpu.memory_space<semaphore_mem>>) src(%arg3 : memref<640xf32, #tpu.memory_space<hbm>>) dst(%dma_wait3A : memref<640xf32, #tpu.memory_space<vmem_shared>>)
      tpu.yield
    }) : () -> ()
    "tpu.region"() ({
      %run_scoped3A = tpu.sem_alloc : memref<!tpu.dma_semaphore, #tpu.memory_space<semaphore_mem>>
      tpu.enqueue_dma source(%arg4 : memref<128xf32, #tpu.memory_space<hbm>>) target(%arg7 : memref<128xf32, #tpu.memory_space<vmem>>) target_semaphore(%run_scoped3A : memref<!tpu.dma_semaphore, #tpu.memory_space<semaphore_mem>>)
      tpu.wait_dma2 semaphore(%run_scoped3A : memref<!tpu.dma_semaphore, #tpu.memory_space<semaphore_mem>>) src(%arg4 : memref<128xf32, #tpu.memory_space<hbm>>) dst(%arg7 : memref<128xf32, #tpu.memory_space<vmem>>)
      tpu.yield
    }) : () -> ()
    "tpu.region"() ({
      %run_scoped3A = tpu.sem_alloc : memref<!tpu.dma_semaphore, #tpu.memory_space<semaphore_mem>>
      %dma_start3A = arith.constant 0 : i32
      %dma_start3A_12 = arith.constant 0 : i32
      %dma_start3A_13 = tpu.memref_slice %arg2[%add3A, %dma_start3A, %dma_start3A_12] : memref<32x80x128xi32, #tpu.memory_space<hbm>> -> memref<1x80x128xi32, #tpu.memory_space<hbm>>
      %dma_start3A_14 = tpu.memref_squeeze %dma_start3A_13 : memref<1x80x128xi32, #tpu.memory_space<hbm>> -> memref<80x128xi32, #tpu.memory_space<hbm>>
      %dma_start3A_15 = arith.constant 0 : i32
      %dma_start3A_16 = arith.constant 0 : i32
      %dma_start3A_17 = tpu.memref_slice %arg2[%add3A, %dma_start3A_15, %dma_start3A_16] : memref<32x80x128xi32, #tpu.memory_space<hbm>> -> memref<1x80x128xi32, #tpu.memory_space<hbm>>
      %dma_start3A_18 = tpu.memref_squeeze %dma_start3A_17 : memref<1x80x128xi32, #tpu.memory_space<hbm>> -> memref<80x128xi32, #tpu.memory_space<hbm>>
      tpu.enqueue_dma source(%dma_start3A_18 : memref<80x128xi32, #tpu.memory_space<hbm>>) target(%arg6 : memref<80x128xi32, #tpu.memory_space<vmem>>) target_semaphore(%run_scoped3A : memref<!tpu.dma_semaphore, #tpu.memory_space<semaphore_mem>>)
      %dma_wait3A = arith.constant 0 : i32
      %dma_wait3A_19 = arith.constant 0 : i32
      %dma_wait3A_20 = tpu.memref_slice %arg2[%add3A, %dma_wait3A, %dma_wait3A_19] : memref<32x80x128xi32, #tpu.memory_space<hbm>> -> memref<1x80x128xi32, #tpu.memory_space<hbm>>
      %dma_wait3A_21 = tpu.memref_squeeze %dma_wait3A_20 : memref<1x80x128xi32, #tpu.memory_space<hbm>> -> memref<80x128xi32, #tpu.memory_space<hbm>>
      %dma_wait3A_22 = arith.constant 0 : i32
      %dma_wait3A_23 = arith.constant 0 : i32
      %dma_wait3A_24 = tpu.memref_slice %arg2[%add3A, %dma_wait3A_22, %dma_wait3A_23] : memref<32x80x128xi32, #tpu.memory_space<hbm>> -> memref<1x80x128xi32, #tpu.memory_space<hbm>>
      %dma_wait3A_25 = tpu.memref_squeeze %dma_wait3A_24 : memref<1x80x128xi32, #tpu.memory_space<hbm>> -> memref<80x128xi32, #tpu.memory_space<hbm>>
      tpu.wait_dma2 semaphore(%run_scoped3A : memref<!tpu.dma_semaphore, #tpu.memory_space<semaphore_mem>>) src(%dma_wait3A_25 : memref<80x128xi32, #tpu.memory_space<hbm>>) dst(%arg6 : memref<80x128xi32, #tpu.memory_space<vmem>>)
      tpu.yield
    }) : () -> ()
    %barrier3A = arith.constant 0 : index
    tpu.barrier barrier_id(%barrier3A)
    %scan3A = arith.constant 0 : i32
    %scan3A_3 = arith.constant 80 : i32
    %scan3A_4 = arith.addi %scan3A, %scan3A_3 : i32
    %scan3A_5 = arith.constant 1 : i32
    scf.for %scan3A_12 = %scan3A to %scan3A_4 step %scan3A_5  : i32 {
      %mul3A_13 = arith.constant 1 : i32
      %mul3A_14 = arith.muli %scan3A_12, %mul3A_13 : i32
      %add3A_15 = arith.constant 0 : i32
      %add3A_16 = arith.addi %add3A_15, %mul3A_14 : i32
      "tpu.region"() ({
        %run_scoped3A = tpu.sem_alloc : memref<!tpu.dma_semaphore, #tpu.memory_space<semaphore_mem>>
        %dma_start3A = arith.constant 0 : i32
        %dma_start3A_17 = tpu.memref_slice %arg6[%add3A_16, %dma_start3A] : memref<80x128xi32, #tpu.memory_space<vmem>> -> memref<1x128xi32, #tpu.memory_space<vmem>>
        %dma_start3A_18 = tpu.memref_squeeze %dma_start3A_17 : memref<1x128xi32, #tpu.memory_space<vmem>> -> memref<128xi32, #tpu.memory_space<vmem>>
        %dma_start3A_19 = arith.constant 0 : i32
        %dma_start3A_20 = tpu.memref_slice %arg8[%dma_start3A_19] : memref<10240xf32, #tpu.memory_space<vmem_shared>> -> memref<10240xf32, #tpu.memory_space<vmem_shared>>
        tpu.enqueue_indirect_dma source(%arg7 : memref<128xf32, #tpu.memory_space<vmem>>) target(%dma_start3A_20 : memref<10240xf32, #tpu.memory_space<vmem_shared>>) offsets(%dma_start3A_18 : memref<128xi32, #tpu.memory_space<vmem>>) semaphore(%run_scoped3A : memref<!tpu.dma_semaphore, #tpu.memory_space<semaphore_mem>>) {add = true}
        %dma_wait3A = arith.constant 0 : i32
        %dma_wait3A_21 = tpu.memref_slice %arg6[%add3A_16, %dma_wait3A] : memref<80x128xi32, #tpu.memory_space<vmem>> -> memref<1x128xi32, #tpu.memory_space<vmem>>
        %dma_wait3A_22 = tpu.memref_squeeze %dma_wait3A_21 : memref<1x128xi32, #tpu.memory_space<vmem>> -> memref<128xi32, #tpu.memory_space<vmem>>
        %dma_wait3A_23 = arith.constant 0 : i32
        %dma_wait3A_24 = tpu.memref_slice %arg8[%dma_wait3A_23] : memref<10240xf32, #tpu.memory_space<vmem_shared>> -> memref<10240xf32, #tpu.memory_space<vmem_shared>>
        tpu.wait_indirect_dma semaphore(%run_scoped3A : memref<!tpu.dma_semaphore, #tpu.memory_space<semaphore_mem>>) src(%arg7 : memref<128xf32, #tpu.memory_space<vmem>>) dst(%dma_wait3A_24 : memref<10240xf32, #tpu.memory_space<vmem_shared>>)
        tpu.yield
      }) : () -> ()
    }
    %scan3A_6 = arith.constant 80 : i32
    %barrier3A_7 = arith.constant 0 : index
    tpu.barrier barrier_id(%barrier3A_7)
    %mul3A_8 = arith.constant 640 : i32
    %mul3A_9 = arith.muli %arg1, %mul3A_8 : i32
    %mul3A_10 = arith.constant 640 : i32
    %mul3A_11 = arith.muli %arg1, %mul3A_10 : i32
    "tpu.region"() ({
      %run_scoped3A = tpu.sem_alloc : memref<!tpu.dma_semaphore, #tpu.memory_space<semaphore_mem>>
      %dma_start3A = tpu.memref_slice %arg5[%arg0, %mul3A_11] : memref<2x10240xf32, #tpu.memory_space<hbm>> -> memref<1x640xf32, #tpu.memory_space<hbm>>
      %dma_start3A_12 = tpu.memref_squeeze %dma_start3A : memref<1x640xf32, #tpu.memory_space<hbm>> -> memref<640xf32, #tpu.memory_space<hbm>>
      %dma_start3A_13 = tpu.memref_slice %arg8[%mul3A_9] : memref<10240xf32, #tpu.memory_space<vmem_shared>> -> memref<640xf32, #tpu.memory_space<vmem_shared>>
      tpu.enqueue_dma source(%dma_start3A_13 : memref<640xf32, #tpu.memory_space<vmem_shared>>) target(%dma_start3A_12 : memref<640xf32, #tpu.memory_space<hbm>>) target_semaphore(%run_scoped3A : memref<!tpu.dma_semaphore, #tpu.memory_space<semaphore_mem>>)
      %dma_wait3A = tpu.memref_slice %arg5[%arg0, %mul3A_11] : memref<2x10240xf32, #tpu.memory_space<hbm>> -> memref<1x640xf32, #tpu.memory_space<hbm>>
      %dma_wait3A_14 = tpu.memref_squeeze %dma_wait3A : memref<1x640xf32, #tpu.memory_space<hbm>> -> memref<640xf32, #tpu.memory_space<hbm>>
      %dma_wait3A_15 = tpu.memref_slice %arg8[%mul3A_9] : memref<10240xf32, #tpu.memory_space<vmem_shared>> -> memref<640xf32, #tpu.memory_space<vmem_shared>>
      tpu.wait_dma2 semaphore(%run_scoped3A : memref<!tpu.dma_semaphore, #tpu.memory_space<semaphore_mem>>) src(%dma_wait3A_15 : memref<640xf32, #tpu.memory_space<vmem_shared>>) dst(%dma_wait3A_14 : memref<640xf32, #tpu.memory_space<hbm>>)
      tpu.yield
    }) : () -> ()
    return
  }
}

#map = affine_map<(d0, d1) -> (0, 0)>
#map1 = affine_map<(d0, d1) -> (0, 0, 0)>
module attributes {stable_mosaic.version = 14 : i64} {
  func.func @_msg_body(%arg0: i32, %arg1: i32, %arg2: memref<10000x128xf32, #tpu.memory_space<hbm>>, %arg3: memref<32x10240xi32, #tpu.memory_space<hbm>>, %arg4: memref<32x10240xi32, #tpu.memory_space<hbm>>, %arg5: memref<640x128xf32, #tpu.memory_space<hbm>>, %arg6: memref<2x10240x128xf32, #tpu.memory_space<hbm>>, %arg7: memref<5120xi32, #tpu.memory_space<vmem>>, %arg8: memref<5120xi32, #tpu.memory_space<vmem>>, %arg9: memref<256x128xf32, #tpu.memory_space<vmem>>, %arg10: memref<10240x128xf32, #tpu.memory_space<vmem_shared>>) attributes {dimension_semantics = [#tpu.dimension_semantics<core_parallel>, #tpu.dimension_semantics<subcore_parallel>], iteration_bounds = array<i64: 2, 16>, scalar_prefetch = 0 : i64, scratch_operands = 4 : i64, tpu.core_type = #tpu.core_type<sc_vector_subcore>, window_params = [{transform_indices = #map}, {transform_indices = #map}, {transform_indices = #map}, {transform_indices = #map}, {transform_indices = #map1}]} {
    %mul3A = arith.constant 16 : i32
    %mul3A_0 = arith.muli %arg0, %mul3A : i32
    %add3A = arith.addi %mul3A_0, %arg1 : i32
    %mul3A_1 = arith.constant 640 : i32
    %mul3A_2 = arith.muli %arg1, %mul3A_1 : i32
    "tpu.region"() ({
      %run_scoped3A = tpu.sem_alloc : memref<!tpu.dma_semaphore, #tpu.memory_space<semaphore_mem>>
      %dma_start3A = arith.constant 0 : i32
      %dma_start3A_17 = tpu.memref_slice %arg10[%mul3A_2, %dma_start3A] : memref<10240x128xf32, #tpu.memory_space<vmem_shared>> -> memref<640x128xf32, #tpu.memory_space<vmem_shared>>
      tpu.enqueue_dma source(%arg5 : memref<640x128xf32, #tpu.memory_space<hbm>>) target(%dma_start3A_17 : memref<640x128xf32, #tpu.memory_space<vmem_shared>>) target_semaphore(%run_scoped3A : memref<!tpu.dma_semaphore, #tpu.memory_space<semaphore_mem>>)
      %dma_wait3A = arith.constant 0 : i32
      %dma_wait3A_18 = tpu.memref_slice %arg10[%mul3A_2, %dma_wait3A] : memref<10240x128xf32, #tpu.memory_space<vmem_shared>> -> memref<640x128xf32, #tpu.memory_space<vmem_shared>>
      tpu.wait_dma2 semaphore(%run_scoped3A : memref<!tpu.dma_semaphore, #tpu.memory_space<semaphore_mem>>) src(%arg5 : memref<640x128xf32, #tpu.memory_space<hbm>>) dst(%dma_wait3A_18 : memref<640x128xf32, #tpu.memory_space<vmem_shared>>)
      tpu.yield
    }) : () -> ()
    %barrier3A = arith.constant 0 : index
    tpu.barrier barrier_id(%barrier3A)
    "tpu.region"() ({
      %run_scoped3A = tpu.sem_alloc : memref<!tpu.dma_semaphore, #tpu.memory_space<semaphore_mem>>
      %dma_start3A = arith.constant 0 : i32
      %dma_start3A_17 = tpu.memref_slice %arg3[%add3A, %dma_start3A] : memref<32x10240xi32, #tpu.memory_space<hbm>> -> memref<1x5120xi32, #tpu.memory_space<hbm>>
      %dma_start3A_18 = tpu.memref_squeeze %dma_start3A_17 : memref<1x5120xi32, #tpu.memory_space<hbm>> -> memref<5120xi32, #tpu.memory_space<hbm>>
      %dma_start3A_19 = arith.constant 0 : i32
      %dma_start3A_20 = tpu.memref_slice %arg3[%add3A, %dma_start3A_19] : memref<32x10240xi32, #tpu.memory_space<hbm>> -> memref<1x5120xi32, #tpu.memory_space<hbm>>
      %dma_start3A_21 = tpu.memref_squeeze %dma_start3A_20 : memref<1x5120xi32, #tpu.memory_space<hbm>> -> memref<5120xi32, #tpu.memory_space<hbm>>
      tpu.enqueue_dma source(%dma_start3A_21 : memref<5120xi32, #tpu.memory_space<hbm>>) target(%arg7 : memref<5120xi32, #tpu.memory_space<vmem>>) target_semaphore(%run_scoped3A : memref<!tpu.dma_semaphore, #tpu.memory_space<semaphore_mem>>)
      %dma_wait3A = arith.constant 0 : i32
      %dma_wait3A_22 = tpu.memref_slice %arg3[%add3A, %dma_wait3A] : memref<32x10240xi32, #tpu.memory_space<hbm>> -> memref<1x5120xi32, #tpu.memory_space<hbm>>
      %dma_wait3A_23 = tpu.memref_squeeze %dma_wait3A_22 : memref<1x5120xi32, #tpu.memory_space<hbm>> -> memref<5120xi32, #tpu.memory_space<hbm>>
      %dma_wait3A_24 = arith.constant 0 : i32
      %dma_wait3A_25 = tpu.memref_slice %arg3[%add3A, %dma_wait3A_24] : memref<32x10240xi32, #tpu.memory_space<hbm>> -> memref<1x5120xi32, #tpu.memory_space<hbm>>
      %dma_wait3A_26 = tpu.memref_squeeze %dma_wait3A_25 : memref<1x5120xi32, #tpu.memory_space<hbm>> -> memref<5120xi32, #tpu.memory_space<hbm>>
      tpu.wait_dma2 semaphore(%run_scoped3A : memref<!tpu.dma_semaphore, #tpu.memory_space<semaphore_mem>>) src(%dma_wait3A_26 : memref<5120xi32, #tpu.memory_space<hbm>>) dst(%arg7 : memref<5120xi32, #tpu.memory_space<vmem>>)
      tpu.yield
    }) : () -> ()
    "tpu.region"() ({
      %run_scoped3A = tpu.sem_alloc : memref<!tpu.dma_semaphore, #tpu.memory_space<semaphore_mem>>
      %dma_start3A = arith.constant 0 : i32
      %dma_start3A_17 = tpu.memref_slice %arg4[%add3A, %dma_start3A] : memref<32x10240xi32, #tpu.memory_space<hbm>> -> memref<1x5120xi32, #tpu.memory_space<hbm>>
      %dma_start3A_18 = tpu.memref_squeeze %dma_start3A_17 : memref<1x5120xi32, #tpu.memory_space<hbm>> -> memref<5120xi32, #tpu.memory_space<hbm>>
      %dma_start3A_19 = arith.constant 0 : i32
      %dma_start3A_20 = tpu.memref_slice %arg4[%add3A, %dma_start3A_19] : memref<32x10240xi32, #tpu.memory_space<hbm>> -> memref<1x5120xi32, #tpu.memory_space<hbm>>
      %dma_start3A_21 = tpu.memref_squeeze %dma_start3A_20 : memref<1x5120xi32, #tpu.memory_space<hbm>> -> memref<5120xi32, #tpu.memory_space<hbm>>
      tpu.enqueue_dma source(%dma_start3A_21 : memref<5120xi32, #tpu.memory_space<hbm>>) target(%arg8 : memref<5120xi32, #tpu.memory_space<vmem>>) target_semaphore(%run_scoped3A : memref<!tpu.dma_semaphore, #tpu.memory_space<semaphore_mem>>)
      %dma_wait3A = arith.constant 0 : i32
      %dma_wait3A_22 = tpu.memref_slice %arg4[%add3A, %dma_wait3A] : memref<32x10240xi32, #tpu.memory_space<hbm>> -> memref<1x5120xi32, #tpu.memory_space<hbm>>
      %dma_wait3A_23 = tpu.memref_squeeze %dma_wait3A_22 : memref<1x5120xi32, #tpu.memory_space<hbm>> -> memref<5120xi32, #tpu.memory_space<hbm>>
      %dma_wait3A_24 = arith.constant 0 : i32
      %dma_wait3A_25 = tpu.memref_slice %arg4[%add3A, %dma_wait3A_24] : memref<32x10240xi32, #tpu.memory_space<hbm>> -> memref<1x5120xi32, #tpu.memory_space<hbm>>
      %dma_wait3A_26 = tpu.memref_squeeze %dma_wait3A_25 : memref<1x5120xi32, #tpu.memory_space<hbm>> -> memref<5120xi32, #tpu.memory_space<hbm>>
      tpu.wait_dma2 semaphore(%run_scoped3A : memref<!tpu.dma_semaphore, #tpu.memory_space<semaphore_mem>>) src(%dma_wait3A_26 : memref<5120xi32, #tpu.memory_space<hbm>>) dst(%arg8 : memref<5120xi32, #tpu.memory_space<vmem>>)
      tpu.yield
    }) : () -> ()
    %scan3A = arith.constant 0 : i32
    %scan3A_3 = arith.constant 20 : i32
    %scan3A_4 = arith.addi %scan3A, %scan3A_3 : i32
    %scan3A_5 = arith.constant 1 : i32
    scf.for %scan3A_17 = %scan3A to %scan3A_4 step %scan3A_5  : i32 {
      %mul3A_18 = arith.constant 1 : i32
      %mul3A_19 = arith.muli %scan3A_17, %mul3A_18 : i32
      %add3A_20 = arith.constant 0 : i32
      %add3A_21 = arith.addi %add3A_20, %mul3A_19 : i32
      %mul3A_22 = arith.constant 256 : i32
      %mul3A_23 = arith.muli %add3A_21, %mul3A_22 : i32
      %mul3A_24 = arith.constant 256 : i32
      %mul3A_25 = arith.muli %add3A_21, %mul3A_24 : i32
      "tpu.region"() ({
        %run_scoped3A = tpu.sem_alloc : memref<!tpu.dma_semaphore, #tpu.memory_space<semaphore_mem>>
        %dma_start3A = tpu.memref_slice %arg7[%mul3A_23] : memref<5120xi32, #tpu.memory_space<vmem>> -> memref<256xi32, #tpu.memory_space<vmem>>
        %dma_start3A_26 = arith.constant 0 : i32
        %dma_start3A_27 = arith.constant 0 : i32
        %dma_start3A_28 = tpu.memref_slice %arg2[%dma_start3A_26, %dma_start3A_27] : memref<10000x128xf32, #tpu.memory_space<hbm>> -> memref<10000x128xf32, #tpu.memory_space<hbm>>
        tpu.enqueue_indirect_dma source(%dma_start3A_28 : memref<10000x128xf32, #tpu.memory_space<hbm>>) target(%arg9 : memref<256x128xf32, #tpu.memory_space<vmem>>) offsets(%dma_start3A : memref<256xi32, #tpu.memory_space<vmem>>) semaphore(%run_scoped3A : memref<!tpu.dma_semaphore, #tpu.memory_space<semaphore_mem>>)
        %dma_wait3A = tpu.memref_slice %arg7[%mul3A_23] : memref<5120xi32, #tpu.memory_space<vmem>> -> memref<256xi32, #tpu.memory_space<vmem>>
        %dma_wait3A_29 = arith.constant 0 : i32
        %dma_wait3A_30 = arith.constant 0 : i32
        %dma_wait3A_31 = tpu.memref_slice %arg2[%dma_wait3A_29, %dma_wait3A_30] : memref<10000x128xf32, #tpu.memory_space<hbm>> -> memref<10000x128xf32, #tpu.memory_space<hbm>>
        tpu.wait_indirect_dma semaphore(%run_scoped3A : memref<!tpu.dma_semaphore, #tpu.memory_space<semaphore_mem>>) src(%dma_wait3A_31 : memref<10000x128xf32, #tpu.memory_space<hbm>>) dst(%arg9 : memref<256x128xf32, #tpu.memory_space<vmem>>)
        tpu.yield
      }) : () -> ()
      "tpu.region"() ({
        %run_scoped3A = tpu.sem_alloc : memref<!tpu.dma_semaphore, #tpu.memory_space<semaphore_mem>>
        %dma_start3A = tpu.memref_slice %arg8[%mul3A_25] : memref<5120xi32, #tpu.memory_space<vmem>> -> memref<256xi32, #tpu.memory_space<vmem>>
        %dma_start3A_26 = arith.constant 0 : i32
        %dma_start3A_27 = arith.constant 0 : i32
        %dma_start3A_28 = tpu.memref_slice %arg10[%dma_start3A_26, %dma_start3A_27] : memref<10240x128xf32, #tpu.memory_space<vmem_shared>> -> memref<10240x128xf32, #tpu.memory_space<vmem_shared>>
        tpu.enqueue_indirect_dma source(%arg9 : memref<256x128xf32, #tpu.memory_space<vmem>>) target(%dma_start3A_28 : memref<10240x128xf32, #tpu.memory_space<vmem_shared>>) offsets(%dma_start3A : memref<256xi32, #tpu.memory_space<vmem>>) semaphore(%run_scoped3A : memref<!tpu.dma_semaphore, #tpu.memory_space<semaphore_mem>>) {add = true}
        %dma_wait3A = tpu.memref_slice %arg8[%mul3A_25] : memref<5120xi32, #tpu.memory_space<vmem>> -> memref<256xi32, #tpu.memory_space<vmem>>
        %dma_wait3A_29 = arith.constant 0 : i32
        %dma_wait3A_30 = arith.constant 0 : i32
        %dma_wait3A_31 = tpu.memref_slice %arg10[%dma_wait3A_29, %dma_wait3A_30] : memref<10240x128xf32, #tpu.memory_space<vmem_shared>> -> memref<10240x128xf32, #tpu.memory_space<vmem_shared>>
        tpu.wait_indirect_dma semaphore(%run_scoped3A : memref<!tpu.dma_semaphore, #tpu.memory_space<semaphore_mem>>) src(%arg9 : memref<256x128xf32, #tpu.memory_space<vmem>>) dst(%dma_wait3A_31 : memref<10240x128xf32, #tpu.memory_space<vmem_shared>>)
        tpu.yield
      }) : () -> ()
    }
    %scan3A_6 = arith.constant 20 : i32
    "tpu.region"() ({
      %run_scoped3A = tpu.sem_alloc : memref<!tpu.dma_semaphore, #tpu.memory_space<semaphore_mem>>
      %dma_start3A = arith.constant 5120 : i32
      %dma_start3A_17 = tpu.memref_slice %arg3[%add3A, %dma_start3A] : memref<32x10240xi32, #tpu.memory_space<hbm>> -> memref<1x5120xi32, #tpu.memory_space<hbm>>
      %dma_start3A_18 = tpu.memref_squeeze %dma_start3A_17 : memref<1x5120xi32, #tpu.memory_space<hbm>> -> memref<5120xi32, #tpu.memory_space<hbm>>
      %dma_start3A_19 = arith.constant 5120 : i32
      %dma_start3A_20 = tpu.memref_slice %arg3[%add3A, %dma_start3A_19] : memref<32x10240xi32, #tpu.memory_space<hbm>> -> memref<1x5120xi32, #tpu.memory_space<hbm>>
      %dma_start3A_21 = tpu.memref_squeeze %dma_start3A_20 : memref<1x5120xi32, #tpu.memory_space<hbm>> -> memref<5120xi32, #tpu.memory_space<hbm>>
      tpu.enqueue_dma source(%dma_start3A_21 : memref<5120xi32, #tpu.memory_space<hbm>>) target(%arg7 : memref<5120xi32, #tpu.memory_space<vmem>>) target_semaphore(%run_scoped3A : memref<!tpu.dma_semaphore, #tpu.memory_space<semaphore_mem>>)
      %dma_wait3A = arith.constant 5120 : i32
      %dma_wait3A_22 = tpu.memref_slice %arg3[%add3A, %dma_wait3A] : memref<32x10240xi32, #tpu.memory_space<hbm>> -> memref<1x5120xi32, #tpu.memory_space<hbm>>
      %dma_wait3A_23 = tpu.memref_squeeze %dma_wait3A_22 : memref<1x5120xi32, #tpu.memory_space<hbm>> -> memref<5120xi32, #tpu.memory_space<hbm>>
      %dma_wait3A_24 = arith.constant 5120 : i32
      %dma_wait3A_25 = tpu.memref_slice %arg3[%add3A, %dma_wait3A_24] : memref<32x10240xi32, #tpu.memory_space<hbm>> -> memref<1x5120xi32, #tpu.memory_space<hbm>>
      %dma_wait3A_26 = tpu.memref_squeeze %dma_wait3A_25 : memref<1x5120xi32, #tpu.memory_space<hbm>> -> memref<5120xi32, #tpu.memory_space<hbm>>
      tpu.wait_dma2 semaphore(%run_scoped3A : memref<!tpu.dma_semaphore, #tpu.memory_space<semaphore_mem>>) src(%dma_wait3A_26 : memref<5120xi32, #tpu.memory_space<hbm>>) dst(%arg7 : memref<5120xi32, #tpu.memory_space<vmem>>)
      tpu.yield
    }) : () -> ()
    "tpu.region"() ({
      %run_scoped3A = tpu.sem_alloc : memref<!tpu.dma_semaphore, #tpu.memory_space<semaphore_mem>>
      %dma_start3A = arith.constant 5120 : i32
      %dma_start3A_17 = tpu.memref_slice %arg4[%add3A, %dma_start3A] : memref<32x10240xi32, #tpu.memory_space<hbm>> -> memref<1x5120xi32, #tpu.memory_space<hbm>>
      %dma_start3A_18 = tpu.memref_squeeze %dma_start3A_17 : memref<1x5120xi32, #tpu.memory_space<hbm>> -> memref<5120xi32, #tpu.memory_space<hbm>>
      %dma_start3A_19 = arith.constant 5120 : i32
      %dma_start3A_20 = tpu.memref_slice %arg4[%add3A, %dma_start3A_19] : memref<32x10240xi32, #tpu.memory_space<hbm>> -> memref<1x5120xi32, #tpu.memory_space<hbm>>
      %dma_start3A_21 = tpu.memref_squeeze %dma_start3A_20 : memref<1x5120xi32, #tpu.memory_space<hbm>> -> memref<5120xi32, #tpu.memory_space<hbm>>
      tpu.enqueue_dma source(%dma_start3A_21 : memref<5120xi32, #tpu.memory_space<hbm>>) target(%arg8 : memref<5120xi32, #tpu.memory_space<vmem>>) target_semaphore(%run_scoped3A : memref<!tpu.dma_semaphore, #tpu.memory_space<semaphore_mem>>)
      %dma_wait3A = arith.constant 5120 : i32
      %dma_wait3A_22 = tpu.memref_slice %arg4[%add3A, %dma_wait3A] : memref<32x10240xi32, #tpu.memory_space<hbm>> -> memref<1x5120xi32, #tpu.memory_space<hbm>>
      %dma_wait3A_23 = tpu.memref_squeeze %dma_wait3A_22 : memref<1x5120xi32, #tpu.memory_space<hbm>> -> memref<5120xi32, #tpu.memory_space<hbm>>
      %dma_wait3A_24 = arith.constant 5120 : i32
      %dma_wait3A_25 = tpu.memref_slice %arg4[%add3A, %dma_wait3A_24] : memref<32x10240xi32, #tpu.memory_space<hbm>> -> memref<1x5120xi32, #tpu.memory_space<hbm>>
      %dma_wait3A_26 = tpu.memref_squeeze %dma_wait3A_25 : memref<1x5120xi32, #tpu.memory_space<hbm>> -> memref<5120xi32, #tpu.memory_space<hbm>>
      tpu.wait_dma2 semaphore(%run_scoped3A : memref<!tpu.dma_semaphore, #tpu.memory_space<semaphore_mem>>) src(%dma_wait3A_26 : memref<5120xi32, #tpu.memory_space<hbm>>) dst(%arg8 : memref<5120xi32, #tpu.memory_space<vmem>>)
      tpu.yield
    }) : () -> ()
    %scan3A_7 = arith.constant 0 : i32
    %scan3A_8 = arith.constant 20 : i32
    %scan3A_9 = arith.addi %scan3A_7, %scan3A_8 : i32
    %scan3A_10 = arith.constant 1 : i32
    scf.for %scan3A_17 = %scan3A_7 to %scan3A_9 step %scan3A_10  : i32 {
      %mul3A_18 = arith.constant 1 : i32
      %mul3A_19 = arith.muli %scan3A_17, %mul3A_18 : i32
      %add3A_20 = arith.constant 0 : i32
      %add3A_21 = arith.addi %add3A_20, %mul3A_19 : i32
      %mul3A_22 = arith.constant 256 : i32
      %mul3A_23 = arith.muli %add3A_21, %mul3A_22 : i32
      %mul3A_24 = arith.constant 256 : i32
      %mul3A_25 = arith.muli %add3A_21, %mul3A_24 : i32
      "tpu.region"() ({
        %run_scoped3A = tpu.sem_alloc : memref<!tpu.dma_semaphore, #tpu.memory_space<semaphore_mem>>
        %dma_start3A = tpu.memref_slice %arg7[%mul3A_23] : memref<5120xi32, #tpu.memory_space<vmem>> -> memref<256xi32, #tpu.memory_space<vmem>>
        %dma_start3A_26 = arith.constant 0 : i32
        %dma_start3A_27 = arith.constant 0 : i32
        %dma_start3A_28 = tpu.memref_slice %arg2[%dma_start3A_26, %dma_start3A_27] : memref<10000x128xf32, #tpu.memory_space<hbm>> -> memref<10000x128xf32, #tpu.memory_space<hbm>>
        tpu.enqueue_indirect_dma source(%dma_start3A_28 : memref<10000x128xf32, #tpu.memory_space<hbm>>) target(%arg9 : memref<256x128xf32, #tpu.memory_space<vmem>>) offsets(%dma_start3A : memref<256xi32, #tpu.memory_space<vmem>>) semaphore(%run_scoped3A : memref<!tpu.dma_semaphore, #tpu.memory_space<semaphore_mem>>)
        %dma_wait3A = tpu.memref_slice %arg7[%mul3A_23] : memref<5120xi32, #tpu.memory_space<vmem>> -> memref<256xi32, #tpu.memory_space<vmem>>
        %dma_wait3A_29 = arith.constant 0 : i32
        %dma_wait3A_30 = arith.constant 0 : i32
        %dma_wait3A_31 = tpu.memref_slice %arg2[%dma_wait3A_29, %dma_wait3A_30] : memref<10000x128xf32, #tpu.memory_space<hbm>> -> memref<10000x128xf32, #tpu.memory_space<hbm>>
        tpu.wait_indirect_dma semaphore(%run_scoped3A : memref<!tpu.dma_semaphore, #tpu.memory_space<semaphore_mem>>) src(%dma_wait3A_31 : memref<10000x128xf32, #tpu.memory_space<hbm>>) dst(%arg9 : memref<256x128xf32, #tpu.memory_space<vmem>>)
        tpu.yield
      }) : () -> ()
      "tpu.region"() ({
        %run_scoped3A = tpu.sem_alloc : memref<!tpu.dma_semaphore, #tpu.memory_space<semaphore_mem>>
        %dma_start3A = tpu.memref_slice %arg8[%mul3A_25] : memref<5120xi32, #tpu.memory_space<vmem>> -> memref<256xi32, #tpu.memory_space<vmem>>
        %dma_start3A_26 = arith.constant 0 : i32
        %dma_start3A_27 = arith.constant 0 : i32
        %dma_start3A_28 = tpu.memref_slice %arg10[%dma_start3A_26, %dma_start3A_27] : memref<10240x128xf32, #tpu.memory_space<vmem_shared>> -> memref<10240x128xf32, #tpu.memory_space<vmem_shared>>
        tpu.enqueue_indirect_dma source(%arg9 : memref<256x128xf32, #tpu.memory_space<vmem>>) target(%dma_start3A_28 : memref<10240x128xf32, #tpu.memory_space<vmem_shared>>) offsets(%dma_start3A : memref<256xi32, #tpu.memory_space<vmem>>) semaphore(%run_scoped3A : memref<!tpu.dma_semaphore, #tpu.memory_space<semaphore_mem>>) {add = true}
        %dma_wait3A = tpu.memref_slice %arg8[%mul3A_25] : memref<5120xi32, #tpu.memory_space<vmem>> -> memref<256xi32, #tpu.memory_space<vmem>>
        %dma_wait3A_29 = arith.constant 0 : i32
        %dma_wait3A_30 = arith.constant 0 : i32
        %dma_wait3A_31 = tpu.memref_slice %arg10[%dma_wait3A_29, %dma_wait3A_30] : memref<10240x128xf32, #tpu.memory_space<vmem_shared>> -> memref<10240x128xf32, #tpu.memory_space<vmem_shared>>
        tpu.wait_indirect_dma semaphore(%run_scoped3A : memref<!tpu.dma_semaphore, #tpu.memory_space<semaphore_mem>>) src(%arg9 : memref<256x128xf32, #tpu.memory_space<vmem>>) dst(%dma_wait3A_31 : memref<10240x128xf32, #tpu.memory_space<vmem_shared>>)
        tpu.yield
      }) : () -> ()
    }
    %scan3A_11 = arith.constant 20 : i32
    %barrier3A_12 = arith.constant 0 : index
    tpu.barrier barrier_id(%barrier3A_12)
    %mul3A_13 = arith.constant 640 : i32
    %mul3A_14 = arith.muli %arg1, %mul3A_13 : i32
    %mul3A_15 = arith.constant 640 : i32
    %mul3A_16 = arith.muli %arg1, %mul3A_15 : i32
    "tpu.region"() ({
      %run_scoped3A = tpu.sem_alloc : memref<!tpu.dma_semaphore, #tpu.memory_space<semaphore_mem>>
      %dma_start3A = arith.constant 0 : i32
      %dma_start3A_17 = tpu.memref_slice %arg6[%arg0, %mul3A_16, %dma_start3A] : memref<2x10240x128xf32, #tpu.memory_space<hbm>> -> memref<1x640x128xf32, #tpu.memory_space<hbm>>
      %dma_start3A_18 = tpu.memref_squeeze %dma_start3A_17 : memref<1x640x128xf32, #tpu.memory_space<hbm>> -> memref<640x128xf32, #tpu.memory_space<hbm>>
      %dma_start3A_19 = arith.constant 0 : i32
      %dma_start3A_20 = tpu.memref_slice %arg10[%mul3A_14, %dma_start3A_19] : memref<10240x128xf32, #tpu.memory_space<vmem_shared>> -> memref<640x128xf32, #tpu.memory_space<vmem_shared>>
      tpu.enqueue_dma source(%dma_start3A_20 : memref<640x128xf32, #tpu.memory_space<vmem_shared>>) target(%dma_start3A_18 : memref<640x128xf32, #tpu.memory_space<hbm>>) target_semaphore(%run_scoped3A : memref<!tpu.dma_semaphore, #tpu.memory_space<semaphore_mem>>)
      %dma_wait3A = arith.constant 0 : i32
      %dma_wait3A_21 = tpu.memref_slice %arg6[%arg0, %mul3A_16, %dma_wait3A] : memref<2x10240x128xf32, #tpu.memory_space<hbm>> -> memref<1x640x128xf32, #tpu.memory_space<hbm>>
      %dma_wait3A_22 = tpu.memref_squeeze %dma_wait3A_21 : memref<1x640x128xf32, #tpu.memory_space<hbm>> -> memref<640x128xf32, #tpu.memory_space<hbm>>
      %dma_wait3A_23 = arith.constant 0 : i32
      %dma_wait3A_24 = tpu.memref_slice %arg10[%mul3A_14, %dma_wait3A_23] : memref<10240x128xf32, #tpu.memory_space<vmem_shared>> -> memref<640x128xf32, #tpu.memory_space<vmem_shared>>
      tpu.wait_dma2 semaphore(%run_scoped3A : memref<!tpu.dma_semaphore, #tpu.memory_space<semaphore_mem>>) src(%dma_wait3A_24 : memref<640x128xf32, #tpu.memory_space<vmem_shared>>) dst(%dma_wait3A_22 : memref<640x128xf32, #tpu.memory_space<hbm>>)
      tpu.yield
    }) : () -> ()
    return
  }
}

module attributes {stable_mosaic.version = 14 : i64} {
  func.func @_tc_pre_body(%arg0: i32, %arg1: memref<1000x128xf32, #tpu.memory_space<vmem>>, %arg2: memref<128x128xf32, #tpu.memory_space<vmem>>, %arg3: memref<1000x1xf32, #tpu.memory_space<vmem>>, %arg4: memref<1000x1xf32, #tpu.memory_space<vmem>>, %arg5: memref<1000x128xf32, #tpu.memory_space<vmem>>) attributes {dimension_semantics = [#tpu.dimension_semantics<arbitrary>], iteration_bounds = array<i64: 10>, scalar_prefetch = 0 : i64, scratch_operands = 0 : i64, tpu.core_type = #tpu.core_type<tc>, window_params = [{transform_indices = @transform_0, window_bounds = array<i64: 1000, 128>}, {pipeline_mode = #tpu.pipeline_mode<synchronous>, transform_indices = @transform_1, window_bounds = array<i64: 128, 128>}, {transform_indices = @transform_2, window_bounds = array<i64: 1000, 1>}, {transform_indices = @transform_3, window_bounds = array<i64: 1000, 1>}, {transform_indices = @transform_4, window_bounds = array<i64: 1000, 128>}]} {
    %get3A = arith.constant 0 : index
    %get3A_0 = arith.constant 0 : index
    %get3A_1 = vector.load %arg3[%get3A, %get3A_0] : memref<1000x1xf32, #tpu.memory_space<vmem>>, vector<1000x1xf32>
    %get3A_2 = arith.constant 0 : index
    %get3A_3 = arith.constant 0 : index
    %get3A_4 = vector.load %arg4[%get3A_2, %get3A_3] : memref<1000x1xf32, #tpu.memory_space<vmem>>, vector<1000x1xf32>
    %add3A = arith.addf %get3A_1, %get3A_4 : vector<1000x1xf32>
    %add3A_5 = arith.constant 1.000000e+00 : f32
    %add3A_6 = vector.broadcast %add3A_5 : f32 to vector<1000x1xf32>
    %add3A_7 = arith.addf %add3A, %add3A_6 : vector<1000x1xf32>
    %rsqrt3A = math.rsqrt %add3A_7 : vector<1000x1xf32>
    %get3A_8 = arith.constant 0 : index
    %get3A_9 = arith.constant 0 : index
    %get3A_10 = vector.load %arg1[%get3A_8, %get3A_9] : memref<1000x128xf32, #tpu.memory_space<vmem>>, vector<1000x128xf32>
    %get3A_11 = arith.constant 0 : index
    %get3A_12 = arith.constant 0 : index
    %get3A_13 = vector.load %arg2[%get3A_11, %get3A_12] : memref<128x128xf32, #tpu.memory_space<vmem>>, vector<128x128xf32>
    %dot_general3A = arith.constant dense<0.000000e+00> : vector<1000x128xf32>
    %dot_general3A_14 = tpu.matmul %get3A_10, %get3A_13, %dot_general3A {dimension_numbers = #tpu.dot_dimension_numbers<[1], [0], [0], [1], [0, 0, 1, 1], [], []>, transpose_lhs_hint = false} : vector<1000x128xf32>, vector<128x128xf32>, vector<1000x128xf32> -> vector<1000x128xf32>
    %mul3A = vector.broadcast %rsqrt3A : vector<1000x1xf32> to vector<1000x128xf32>
    %mul3A_15 = arith.mulf %dot_general3A_14, %mul3A : vector<1000x128xf32>
    %swap3A = arith.constant 0 : index
    %swap3A_16 = arith.constant 0 : index
    %swap3A_17 = vector.load %arg5[%swap3A, %swap3A_16] : memref<1000x128xf32, #tpu.memory_space<vmem>>, vector<1000x128xf32>
    tpu.vector_store %arg5[%swap3A, %swap3A_16], %mul3A_15 {strides = array<i32>} : memref<1000x128xf32, #tpu.memory_space<vmem>>, vector<1000x128xf32>,
    return
  }
  func.func @transform_0(%arg0: i32) -> (i32, i32) {
    %c0_i32 = arith.constant 0 : i32
    %c0_i32_0 = arith.constant 0 : i32
    return %arg0, %c0_i32 : i32, i32
  }
  func.func @transform_1(%arg0: i32) -> (i32, i32) {
    %c0_i32 = arith.constant 0 : i32
    %c0_i32_0 = arith.constant 0 : i32
    %c0_i32_1 = arith.constant 0 : i32
    return %c0_i32, %c0_i32_0 : i32, i32
  }
  func.func @transform_2(%arg0: i32) -> (i32, i32) {
    %c0_i32 = arith.constant 0 : i32
    %c0_i32_0 = arith.constant 0 : i32
    return %arg0, %c0_i32 : i32, i32
  }
  func.func @transform_3(%arg0: i32) -> (i32, i32) {
    %c0_i32 = arith.constant 0 : i32
    %c0_i32_0 = arith.constant 0 : i32
    return %arg0, %c0_i32 : i32, i32
  }
  func.func @transform_4(%arg0: i32) -> (i32, i32) {
    %c0_i32 = arith.constant 0 : i32
    %c0_i32_0 = arith.constant 0 : i32
    return %arg0, %c0_i32 : i32, i32
  }
}

module attributes {stable_mosaic.version = 14 : i64} {
  func.func @_tc_mid_body(%arg0: i32, %arg1: memref<1000x128xf32, #tpu.memory_space<vmem>>, %arg2: memref<1000x128xf32, #tpu.memory_space<vmem>>, %arg3: memref<1000x128xf32, #tpu.memory_space<vmem>>, %arg4: memref<1000x1xf32, #tpu.memory_space<vmem>>, %arg5: memref<1000x1xf32, #tpu.memory_space<vmem>>, %arg6: memref<1x128xf32, #tpu.memory_space<vmem>>, %arg7: memref<128x128xf32, #tpu.memory_space<vmem>>, %arg8: memref<1000x128xf32, #tpu.memory_space<vmem>>) attributes {dimension_semantics = [#tpu.dimension_semantics<arbitrary>], iteration_bounds = array<i64: 10>, scalar_prefetch = 0 : i64, scratch_operands = 0 : i64, tpu.core_type = #tpu.core_type<tc>, window_params = [{transform_indices = @transform_0, window_bounds = array<i64: 1000, 128>}, {transform_indices = @transform_1, window_bounds = array<i64: 1000, 128>}, {transform_indices = @transform_2, window_bounds = array<i64: 1000, 128>}, {transform_indices = @transform_3, window_bounds = array<i64: 1000, 1>}, {transform_indices = @transform_4, window_bounds = array<i64: 1000, 1>}, {pipeline_mode = #tpu.pipeline_mode<synchronous>, transform_indices = @transform_5, window_bounds = array<i64: 1, 128>}, {pipeline_mode = #tpu.pipeline_mode<synchronous>, transform_indices = @transform_6, window_bounds = array<i64: 128, 128>}, {transform_indices = @transform_7, window_bounds = array<i64: 1000, 128>}]} {
    %get3A = arith.constant 0 : index
    %get3A_0 = arith.constant 0 : index
    %get3A_1 = vector.load %arg4[%get3A, %get3A_0] : memref<1000x1xf32, #tpu.memory_space<vmem>>, vector<1000x1xf32>
    %get3A_2 = arith.constant 0 : index
    %get3A_3 = arith.constant 0 : index
    %get3A_4 = vector.load %arg5[%get3A_2, %get3A_3] : memref<1000x1xf32, #tpu.memory_space<vmem>>, vector<1000x1xf32>
    %add3A = arith.addf %get3A_1, %get3A_4 : vector<1000x1xf32>
    %add3A_5 = arith.constant 1.000000e+00 : f32
    %add3A_6 = vector.broadcast %add3A_5 : f32 to vector<1000x1xf32>
    %add3A_7 = arith.addf %add3A, %add3A_6 : vector<1000x1xf32>
    %rsqrt3A = math.rsqrt %add3A_7 : vector<1000x1xf32>
    %get3A_8 = arith.constant 0 : index
    %get3A_9 = arith.constant 0 : index
    %get3A_10 = vector.load %arg1[%get3A_8, %get3A_9] : memref<1000x128xf32, #tpu.memory_space<vmem>>, vector<1000x128xf32>
    %get3A_11 = arith.constant 0 : index
    %get3A_12 = arith.constant 0 : index
    %get3A_13 = vector.load %arg2[%get3A_11, %get3A_12] : memref<1000x128xf32, #tpu.memory_space<vmem>>, vector<1000x128xf32>
    %add3A_14 = arith.addf %get3A_10, %get3A_13 : vector<1000x128xf32>
    %get3A_15 = arith.constant 0 : index
    %get3A_16 = arith.constant 0 : index
    %get3A_17 = vector.load %arg3[%get3A_15, %get3A_16] : memref<1000x128xf32, #tpu.memory_space<vmem>>, vector<1000x128xf32>
    %add3A_18 = arith.addf %add3A_14, %get3A_17 : vector<1000x128xf32>
    %mul3A = vector.broadcast %rsqrt3A : vector<1000x1xf32> to vector<1000x128xf32>
    %mul3A_19 = arith.mulf %mul3A, %add3A_18 : vector<1000x128xf32>
    %get3A_20 = arith.constant 0 : index
    %get3A_21 = arith.constant 0 : index
    %get3A_22 = vector.load %arg6[%get3A_20, %get3A_21] : memref<1x128xf32, #tpu.memory_space<vmem>>, vector<1x128xf32>
    %add3A_23 = vector.broadcast %get3A_22 : vector<1x128xf32> to vector<1000x128xf32>
    %add3A_24 = arith.addf %mul3A_19, %add3A_23 : vector<1000x128xf32>
    %max3A = arith.constant 0.000000e+00 : f32
    %max3A_25 = vector.broadcast %max3A : f32 to vector<1000x128xf32>
    %max3A_26 = arith.maximumf %add3A_24, %max3A_25 : vector<1000x128xf32>
    %get3A_27 = arith.constant 0 : index
    %get3A_28 = arith.constant 0 : index
    %get3A_29 = vector.load %arg7[%get3A_27, %get3A_28] : memref<128x128xf32, #tpu.memory_space<vmem>>, vector<128x128xf32>
    %dot_general3A = arith.constant dense<0.000000e+00> : vector<1000x128xf32>
    %dot_general3A_30 = tpu.matmul %max3A_26, %get3A_29, %dot_general3A {dimension_numbers = #tpu.dot_dimension_numbers<[1], [0], [0], [1], [0, 0, 1, 1], [], []>, transpose_lhs_hint = false} : vector<1000x128xf32>, vector<128x128xf32>, vector<1000x128xf32> -> vector<1000x128xf32>
    %mul3A_31 = vector.broadcast %rsqrt3A : vector<1000x1xf32> to vector<1000x128xf32>
    %mul3A_32 = arith.mulf %dot_general3A_30, %mul3A_31 : vector<1000x128xf32>
    %swap3A = arith.constant 0 : index
    %swap3A_33 = arith.constant 0 : index
    %swap3A_34 = vector.load %arg8[%swap3A, %swap3A_33] : memref<1000x128xf32, #tpu.memory_space<vmem>>, vector<1000x128xf32>
    tpu.vector_store %arg8[%swap3A, %swap3A_33], %mul3A_32 {strides = array<i32>} : memref<1000x128xf32, #tpu.memory_space<vmem>>, vector<1000x128xf32>,
    return
  }
  func.func @transform_0(%arg0: i32) -> (i32, i32) {
    %c0_i32 = arith.constant 0 : i32
    %c0_i32_0 = arith.constant 0 : i32
    return %arg0, %c0_i32 : i32, i32
  }
  func.func @transform_1(%arg0: i32) -> (i32, i32) {
    %c0_i32 = arith.constant 0 : i32
    %c0_i32_0 = arith.constant 0 : i32
    return %arg0, %c0_i32 : i32, i32
  }
  func.func @transform_2(%arg0: i32) -> (i32, i32) {
    %c0_i32 = arith.constant 0 : i32
    %c0_i32_0 = arith.constant 0 : i32
    return %arg0, %c0_i32 : i32, i32
  }
  func.func @transform_3(%arg0: i32) -> (i32, i32) {
    %c0_i32 = arith.constant 0 : i32
    %c0_i32_0 = arith.constant 0 : i32
    return %arg0, %c0_i32 : i32, i32
  }
  func.func @transform_4(%arg0: i32) -> (i32, i32) {
    %c0_i32 = arith.constant 0 : i32
    %c0_i32_0 = arith.constant 0 : i32
    return %arg0, %c0_i32 : i32, i32
  }
  func.func @transform_5(%arg0: i32) -> (i32, i32) {
    %c0_i32 = arith.constant 0 : i32
    %c0_i32_0 = arith.constant 0 : i32
    %c0_i32_1 = arith.constant 0 : i32
    return %c0_i32, %c0_i32_0 : i32, i32
  }
  func.func @transform_6(%arg0: i32) -> (i32, i32) {
    %c0_i32 = arith.constant 0 : i32
    %c0_i32_0 = arith.constant 0 : i32
    %c0_i32_1 = arith.constant 0 : i32
    return %c0_i32, %c0_i32_0 : i32, i32
  }
  func.func @transform_7(%arg0: i32) -> (i32, i32) {
    %c0_i32 = arith.constant 0 : i32
    %c0_i32_0 = arith.constant 0 : i32
    return %arg0, %c0_i32 : i32, i32
  }
}

module attributes {stable_mosaic.version = 14 : i64} {
  func.func @_tc_fin_body(%arg0: i32, %arg1: memref<1000x128xf32, #tpu.memory_space<vmem>>, %arg2: memref<1000x128xf32, #tpu.memory_space<vmem>>, %arg3: memref<1000x128xf32, #tpu.memory_space<vmem>>, %arg4: memref<1000x1xf32, #tpu.memory_space<vmem>>, %arg5: memref<1000x1xf32, #tpu.memory_space<vmem>>, %arg6: memref<1x128xf32, #tpu.memory_space<vmem>>, %arg7: memref<1000x128xf32, #tpu.memory_space<vmem>>) attributes {dimension_semantics = [#tpu.dimension_semantics<arbitrary>], iteration_bounds = array<i64: 10>, scalar_prefetch = 0 : i64, scratch_operands = 0 : i64, tpu.core_type = #tpu.core_type<tc>, window_params = [{transform_indices = @transform_0, window_bounds = array<i64: 1000, 128>}, {transform_indices = @transform_1, window_bounds = array<i64: 1000, 128>}, {transform_indices = @transform_2, window_bounds = array<i64: 1000, 128>}, {transform_indices = @transform_3, window_bounds = array<i64: 1000, 1>}, {transform_indices = @transform_4, window_bounds = array<i64: 1000, 1>}, {pipeline_mode = #tpu.pipeline_mode<synchronous>, transform_indices = @transform_5, window_bounds = array<i64: 1, 128>}, {transform_indices = @transform_6, window_bounds = array<i64: 1000, 128>}]} {
    %get3A = arith.constant 0 : index
    %get3A_0 = arith.constant 0 : index
    %get3A_1 = vector.load %arg4[%get3A, %get3A_0] : memref<1000x1xf32, #tpu.memory_space<vmem>>, vector<1000x1xf32>
    %get3A_2 = arith.constant 0 : index
    %get3A_3 = arith.constant 0 : index
    %get3A_4 = vector.load %arg5[%get3A_2, %get3A_3] : memref<1000x1xf32, #tpu.memory_space<vmem>>, vector<1000x1xf32>
    %add3A = arith.addf %get3A_1, %get3A_4 : vector<1000x1xf32>
    %add3A_5 = arith.constant 1.000000e+00 : f32
    %add3A_6 = vector.broadcast %add3A_5 : f32 to vector<1000x1xf32>
    %add3A_7 = arith.addf %add3A, %add3A_6 : vector<1000x1xf32>
    %rsqrt3A = math.rsqrt %add3A_7 : vector<1000x1xf32>
    %get3A_8 = arith.constant 0 : index
    %get3A_9 = arith.constant 0 : index
    %get3A_10 = vector.load %arg1[%get3A_8, %get3A_9] : memref<1000x128xf32, #tpu.memory_space<vmem>>, vector<1000x128xf32>
    %get3A_11 = arith.constant 0 : index
    %get3A_12 = arith.constant 0 : index
    %get3A_13 = vector.load %arg2[%get3A_11, %get3A_12] : memref<1000x128xf32, #tpu.memory_space<vmem>>, vector<1000x128xf32>
    %add3A_14 = arith.addf %get3A_10, %get3A_13 : vector<1000x128xf32>
    %get3A_15 = arith.constant 0 : index
    %get3A_16 = arith.constant 0 : index
    %get3A_17 = vector.load %arg3[%get3A_15, %get3A_16] : memref<1000x128xf32, #tpu.memory_space<vmem>>, vector<1000x128xf32>
    %add3A_18 = arith.addf %add3A_14, %get3A_17 : vector<1000x128xf32>
    %mul3A = vector.broadcast %rsqrt3A : vector<1000x1xf32> to vector<1000x128xf32>
    %mul3A_19 = arith.mulf %mul3A, %add3A_18 : vector<1000x128xf32>
    %get3A_20 = arith.constant 0 : index
    %get3A_21 = arith.constant 0 : index
    %get3A_22 = vector.load %arg6[%get3A_20, %get3A_21] : memref<1x128xf32, #tpu.memory_space<vmem>>, vector<1x128xf32>
    %add3A_23 = vector.broadcast %get3A_22 : vector<1x128xf32> to vector<1000x128xf32>
    %add3A_24 = arith.addf %mul3A_19, %add3A_23 : vector<1000x128xf32>
    %swap3A = arith.constant 0 : index
    %swap3A_25 = arith.constant 0 : index
    %swap3A_26 = vector.load %arg7[%swap3A, %swap3A_25] : memref<1000x128xf32, #tpu.memory_space<vmem>>, vector<1000x128xf32>
    tpu.vector_store %arg7[%swap3A, %swap3A_25], %add3A_24 {strides = array<i32>} : memref<1000x128xf32, #tpu.memory_space<vmem>>, vector<1000x128xf32>,
    return
  }
  func.func @transform_0(%arg0: i32) -> (i32, i32) {
    %c0_i32 = arith.constant 0 : i32
    %c0_i32_0 = arith.constant 0 : i32
    return %arg0, %c0_i32 : i32, i32
  }
  func.func @transform_1(%arg0: i32) -> (i32, i32) {
    %c0_i32 = arith.constant 0 : i32
    %c0_i32_0 = arith.constant 0 : i32
    return %arg0, %c0_i32 : i32, i32
  }
  func.func @transform_2(%arg0: i32) -> (i32, i32) {
    %c0_i32 = arith.constant 0 : i32
    %c0_i32_0 = arith.constant 0 : i32
    return %arg0, %c0_i32 : i32, i32
  }
  func.func @transform_3(%arg0: i32) -> (i32, i32) {
    %c0_i32 = arith.constant 0 : i32
    %c0_i32_0 = arith.constant 0 : i32
    return %arg0, %c0_i32 : i32, i32
  }
  func.func @transform_4(%arg0: i32) -> (i32, i32) {
    %c0_i32 = arith.constant 0 : i32
    %c0_i32_0 = arith.constant 0 : i32
    return %arg0, %c0_i32 : i32, i32
  }
  func.func @transform_5(%arg0: i32) -> (i32, i32) {
    %c0_i32 = arith.constant 0 : i32
    %c0_i32_0 = arith.constant 0 : i32
    %c0_i32_1 = arith.constant 0 : i32
    return %c0_i32, %c0_i32_0 : i32, i32
  }
  func.func @transform_6(%arg0: i32) -> (i32, i32) {
    %c0_i32 = arith.constant 0 : i32
    %c0_i32_0 = arith.constant 0 : i32
    return %arg0, %c0_i32 : i32, i32
  }
}

</mosaic_0001>

<sc_bundles>
// kernel: kernel.11.cloned.1.call-start
scs
__scs_entry_jumppad:
0x0: {  	(pc) =	sbr.rel $0x88, $3  }
0x1: {  	(tag) =	ssettag $0x0;
	lr =	simm.s32 $0x1  }
0x2: {  	[smem:$0x3F9B] =	sst lr;
	_ =	strace $0xD0000000  }
0x3: {  	_ = 	snop  }
0x4: {  	_ = 	snop  }
0x5: {  	_ = 	snop  }
0x6: {  	_ = 	snop  }
0x7: {  	_ = 	snop  }
__scs_overlays_trampoline_lowered:
0x8: {  	[smem:$0x3FAA] =	sst s0  }
0x9: {  	[smem:$0x3FAB] =	sst s1  }
0xa: {  	[smem:$0x3FAC] =	sst s2  }
0xb: {  	[smem:$0x3FAD] =	sst s3  }
0xc: {  	[smem:$0x3FAE] =	sst s4  }
0xd: {  	[smem:$0x3FAF] =	sst s5  }
0xe: {  	[smem:$0x3FB0] =	sst s6  }
0xf: {  	[smem:$0x3FB1] =	sst s7  }
0x10: {  	[smem:$0x3FB2] =	sst s8  }
0x11: {  	[smem:$0x3FB3] =	sst s9;
	s0 =	simm.s32 @!p0 $0x0  }
0x12: {  	s1 =	sld [smem:$0x3F99];
	s0 =	simm.s32 @p0 $0x1  }
0x13: {  	[smem:$0x3FB4] =	sst s0;
	s0 =	simm.s32 @!p1 $0x0  }
0x14: {  	s2 =	sld [smem:$0x3F98];
	s0 =	simm.s32 @p1 $0x1  }
0x15: {  	[smem:$0x3FB5] =	sst s0;
	s0 =	simm.s32 @!p2 $0x0  }
0x16: {  	s3 =	sld [smem:$0x3FDB];
	s0 =	simm.s32 @p2 $0x1  }
0x17: {  	s4 =	simm.s32 $0x1BF5;
	[smem:$0x3FB7] =	sst s0  }
0x18: {  	s0 =	sld [smem:$0x3F9A];
	_ =	swait.ge [sflag:s4], $0x0  }
0x19: {  	s7 =	sld [smem:$0x3F9B]  }
0x1a: {  	s8 =	sadd.s32 $0xFFFFE003, lr  }
0x1b: {  	s9 =	sadd.s32 $0xFFFFFEF7, lr;
	s5 =	simm.s32 $0xFFFFFFFF;
	p2 =	slt.u32 s8, $0xFFFFF086  }
0x1c: {  	p1 =	slt.u32 s9, $0xF7A;
	s5 =	simm.s32 @!p2 $0x0  }
0x1d: {  	s5 =	simm.s32 @p1 $0x1;
	p0 =	seq.s32 s7, s2  }
0x1e: {  	s7 =	smul.u32 @!p0 $0xF7A, s2;
	p2 =	seq.s32 @!p0 s5, $0x0  }
0x1f: {  	s9 =	smul.u32 $0xF7A, s1;
	s8 =	simm.s32 @!p0 $0x1BF5;
	p2 =	por !p2, p0  }
0x20: {  	[sflag:s8] =	ssyncset.s32 @!p0 $0xFFFFF086;
	s6 =	sadd.s32 @!p0 s3, s7;
	s7 =	simm.s32 @!p0 $0x108  }
0x21: {  	s3 =	sadd.s32 s3, s9;
	s6 =	sadd.s32 @!p0 $0x88, s6;
	s7 =	simm.s32 @p2 $0x1082  }
0x22: {  	[simem:s7], [sflag:s8] =	dma.local @!p0 [hbm:s6], $0xF7A  }
0x23: {  	s9 =	sor.u32 $0xD0000000, s2;
	s6 =	simm.s32 $0x108;
	_ =	swait.ge @!p0 [sflag:s8], $0x0  }
0x24: {  	s3 =	sadd.s32 $0x88, s3;
	s6 =	simm.s32 @!p1 $0x1082;
	[sflag:s4] =	ssyncset.s32 $0xFFFFF086  }
0x25: {  	[simem:s6], [sflag:s4] =	dma.local [hbm:s3], $0xF7A  }
0x26: {  	[smem:$0x3F9B] =	sst s1;
	(tag) =	ssettag s2;
	_ =	strace s9  }
0x27: {  	s1 =	sld [smem:$0x3FAB]  }
0x28: {  	s2 =	sld [smem:$0x3FAC]  }
0x29: {  	s4 =	sld [smem:$0x3FAE]  }
0x2a: {  	p0 =	seq.s32 s5, $0x0;
	s5 =	sld [smem:$0x3FAF]  }
0x2b: {  	s6 =	sld [smem:$0x3FB0]  }
0x2c: {  	s7 =	sld [smem:$0x3FB1]  }
0x2d: {  	s3 =	simm.s32 $0x108;
	s8 =	sld [smem:$0x3FB2]  }
0x2e: {  	s3 =	simm.s32 @!p0 $0x1082;
	s9 =	sld [smem:$0x3FB3]  }
0x2f: {  	lr =	sadd.s32 s0, s3;
	s0 =	sld [smem:$0x3FAA]  }
0x30: {  	s3 =	sld [smem:$0x3FAD]  }
0x31: {  	[smem:$0x3FB6] =	sst s10  }
0x32: {  	s10 =	sld [smem:$0x3FB4];
	_ =	sdelay $0x3  }
0x33: {  	p0 =	seq.s32 s10, $0x1;
	s10 =	sld [smem:$0x3FB6];
	_ =	sdelay $0x3  }
0x34: {  	[smem:$0x3FB6] =	sst s10  }
0x35: {  	s10 =	sld [smem:$0x3FB5];
	_ =	sdelay $0x3  }
0x36: {  	p1 =	seq.s32 s10, $0x1;
	s10 =	sld [smem:$0x3FB6];
	_ =	sdelay $0x3  }
0x37: {  	[smem:$0x3FB6] =	sst s10  }
0x38: {  	s10 =	sld [smem:$0x3FB7]  }
0x39: {  	_ = 	snop;
	(pc) =	sbr.ind lr, $3  }
0x3a: {  	_ = 	snop  }
0x3b: {  	_ = 	snop  }
0x3c: {  	p2 =	seq.s32 s10, $0x1;
	s10 =	sld [smem:$0x3FB6]  }
0x3d: {  	_ =	shalt  }
0x3e: {  	_ =	shalt  }
0x3f: {  	_ =	shalt  }
0x40: {  	_ =	shalt  }
0x41: {  	_ =	shalt  }
0x42: {  	_ =	shalt  }
0x43: {  	_ =	shalt  }
0x44: {  	_ =	shalt  }
0x45: {  	_ =	shalt  }
0x46: {  	_ =	shalt  }
0x47: {  	_ =	shalt  }
0x48: {  	_ =	shalt  }
0x49: {  	_ =	shalt  }
0x4a: {  	_ =	shalt  }
0x4b: {  	_ =	shalt  }
0x4c: {  	_ =	shalt  }
0x4d: {  	_ =	shalt  }
0x4e: {  	_ =	shalt  }
0x4f: {  	_ =	shalt  }
0x50: {  	_ =	shalt  }
0x51: {  	_ =	shalt  }
0x52: {  	_ =	shalt  }
0x53: {  	_ =	shalt  }
0x54: {  	_ =	shalt  }
0x55: {  	_ =	shalt  }
0x56: {  	_ =	shalt  }
0x57: {  	_ =	shalt  }
0x58: {  	_ =	shalt  }
0x59: {  	_ =	shalt  }
0x5a: {  	_ =	shalt  }
0x5b: {  	_ =	shalt  }
0x5c: {  	_ =	shalt  }
0x5d: {  	_ =	shalt  }
0x5e: {  	_ =	shalt  }
0x5f: {  	_ =	shalt  }
0x60: {  	_ =	shalt  }
0x61: {  	_ =	shalt  }
0x62: {  	_ =	shalt  }
0x63: {  	_ =	shalt  }
0x64: {  	_ =	shalt  }
0x65: {  	_ =	shalt  }
0x66: {  	_ =	shalt  }
0x67: {  	_ =	shalt  }
0x68: {  	_ =	shalt  }
0x69: {  	_ =	shalt  }
0x6a: {  	_ =	shalt  }
0x6b: {  	_ =	shalt  }
0x6c: {  	_ =	shalt  }
0x6d: {  	_ =	shalt  }
0x6e: {  	_ =	shalt  }
0x6f: {  	_ =	shalt  }
0x70: {  	_ =	shalt  }
0x71: {  	_ =	shalt  }
0x72: {  	_ =	shalt  }
0x73: {  	_ =	shalt  }
0x74: {  	_ =	shalt  }
0x75: {  	_ =	shalt  }
0x76: {  	_ =	shalt  }
0x77: {  	_ =	shalt  }
0x78: {  	_ =	shalt  }
0x79: {  	_ =	shalt  }
0x7a: {  	_ =	shalt  }
0x7b: {  	_ =	shalt  }
0x7c: {  	_ =	shalt  }
0x7d: {  	_ =	shalt  }
0x7e: {  	_ =	shalt  }
0x7f: {  	_ =	shalt  }
0x80: {  	_ =	shalt  }
0x81: {  	_ =	shalt  }
0x82: {  	_ =	shalt  }
0x83: {  	_ =	shalt  }
0x84: {  	_ =	shalt  }
0x85: {  	_ =	shalt  }
0x86: {  	_ =	shalt  }
0x87: {  	_ =	shalt  }
.Lfunc_end0:
.L_simem_size_0:
called_computation.1_lowered:
.L_overlay_start_0:
0x88: {  	s2 =	sld [smem:$0x3FD9]  }
0x89: {  	s3 =	sld [smem:$0x3FFE];
	_ =	sdelay $0x1  }
0x8a: {  	s1 =	srdreg.scid  }
0x8b: {  	s0 =	sand.u32 $0x1, s1  }
0x8c: {  	s17 =	sshll.u32 s0, $0xA;
	s2 =	sadd.s32 s3, s2  }
0x8d: {  	s2 =	sadd.s32 s2, s17  }
0x8e: {  	[smem:$0x3FC2] =	sst s2  }
0x8f: {  	_ = 	snop  }
0x90: {  	s2 =	sld [smem:$0x3FD0];
	(tm) =	ssettm $0x1  }
0x91: {  	s18 =	sld [smem:$0x3FFB];
	_ =	sdelay $0x3  }
0x92: {  	_ =	strace s18  }
0x93: {  	s3 =	sld [smem:$0x3FFC];
	_ =	sdelay $0x3  }
0x94: {  	_ =	strace s3  }
0x95: {  	s3 =	sld [smem:$0x3FFD];
	_ =	sdelay $0x3  }
0x96: {  	_ =	strace s3  }
0x97: {  	_ =	strace $0x8FFFFFFF  }
0x98: {  	s19 =	sld [smem:$0x3FDB];
	_ =	sdelay $0x1  }
0x99: {  	s4 =	simm.s32 $_scs_section_size  }
0x9a: {  	s5 =	simm.s32 $_size__tile_overlayer_lowered;
	s6 =	simm.s32 $_tile_overlayer_lowered  }
0x9b: {  	s22 =	simm.s32 $0x1BFF;
	s21 =	sshll.u32 s6, $0x1;
	s3 =	sadd.s32 s4, s19  }
0x9c: {  	s7 =	simm.s32 $0x0;
	s20 =	sshll.u32 s5, $0x1;
	s5 =	sadd.s32 s21, s3  }
0x9d: {  	[timem:s7], [sflag:s22] =	dma.local [hbm:s5], s20  }
0x9e: {  	_ =	swait.ge [sflag:s22], s20  }
0x9f: {  	s4 =	ssub.s32 $0x0, s20;
	[sflag:s22] =	ssyncset.done $0x0  }
0xa0: {  	[sflag:s22] =	ssyncadd.s32 s4;
	_ =	sdelay $0x1  }
0xa1: {  	s23 =	simm.s32 $0x1B8B  }
0xa2: {  	_ =	swait.ge [sflag:s23], $0x1  }
0xa3: {  	[sflag:s23] =	ssyncset.done $0x0  }
0xa4: {  	s25 =	simm.s32 $0x1B8E;
	s24 =	sld [smem:$0x3FFE];
	[sflag:s23] =	ssyncadd.s32 $0xFFFFFFFF  }
0xa5: {  	s26 =	simm.s32 $execute0_lowered;
	[smem:$0x3FD2] =	sst s25  }
0xa6: {  	s5 =	sshll.u32 s26, $0x1;
	_ =	strace $0x80000049;
	[dreg:$0x1] =	wrdreg $0xFFFFFFFF  }
0xa7: {  	s28 =	simm.s32 $_size_execute0_lowered;
	s3 =	sadd.s32 s3, s5;
	[dreg:$0x0] =	wrdreg $0x0  }
0xa8: {  	s5 =	sshll.u32 s28, $0x1;
	[dreg:$0x2] =	wrdreg s3  }
0xa9: {  	[dreg:$0x3] =	wrdreg s5  }
0xaa: {  	[dreg:$0x4] =	wrdreg $0xC0  }
0xab: {  	_ =	task [dreg:s7], $0x5FFFF  }
0xac: {  	[dreg:$0x1] =	wrdreg $0xFFFFFFFF  }
0xad: {  	[dreg:$0x0] =	wrdreg $0x60  }
0xae: {  	[dreg:$0x2] =	wrdreg s2  }
0xaf: {  	[dreg:$0x3] =	wrdreg s24  }
0xb0: {  	[dreg:$0x4] =	wrdreg $0xA8000  }
0xb1: {  	[dreg:$0x5] =	wrdreg $0x9  }
0xb2: {  	_ =	task.clear_ibuf [dreg:s7], $0x6FFFF;
	_ =	strace $0x90000049  }
0xb3: {  	s29 =	simm.s32 $0x9;
	_ =	strace $0x8000004B  }
0xb4: {  	_ =	swait.ge [sflag:s29], $0x1  }
0xb5: {  	[sflag:s29] =	ssyncadd.s32 $0xFFFFFFFF  }
0xb6: {  	_ =	strace $0x9000004B  }
0xb7: {  	_ =	sfence  }
0xb8: {  	s30 =	sld [smem:$0x0];
	_ =	sdelay $0x2  }
0xb9: {  	s31 =	sshll.u32 s1, $0xD;
	s1 =	sshrl.u32 s1, $0x2  }
0xba: {  	s3 =	sand.u32 $0x4000, s31;
	s1 =	sadd.s32 s1, s30  }
0xbb: {  	s0 =	sor.u32 s3, s0;
	s1 =	sshll.u32 s1, $0x11  }
0xbc: {  	s0 =	sor.u32 s1, s0  }
0xbd: {  	s0 =	sadd.s32 $0x8F2B, s0  }
0xbe: {  	[sflag:s0] =	ssyncadd.remote.s32 $0x1  }
0xbf: {  	_ =	sfence.sel $0xFFFF  }
0xc0: {  	[dreg:$0x0] =	wrdreg $0xFFFFFFFF;
	(pc) =	sbr.abs _section_cstart, $3  }
0xc1: {  	[dreg:$0x1] =	wrdreg $0xFFFFFFFF  }
0xc2: {  	_ =	task.clear_ibuf [dreg:s7], $0x2FFFF;
	_ =	strace $0x9FFFFFFF  }
0xc3: {  	(tm) =	ssettm $0x7FFFFFFF  }
tec
execute0_lowered:
.L_overlay_start_1:
0x0: {  	(tag) =	ssettag $0x1  }
0x1: {  	s0 =	rddreg [dreg:$0x0]  }
0x2: {  	s6 =	rddreg [dreg:$0x1];
	s1 =	srdreg.scid  }
0x3: {  	s3 =	rddreg [dreg:$0x2];
	s2 =	stileid.u32  }
0x4: {  	s4 =	simm.s32 $0x0;
	s16 =	simm.s32 $0x400;
	s17 =	simm.s32 $0x1400  }
0x5: {  	s18 =	simm.s32 $0x100;
	s19 =	simm.s32 $0x2800;
	s20 =	simm.s32 $0x0  }
0x6: {  	s7 =	sand.u32 $0x1, s1;
	s1 =	rddreg [dreg:$0x3];
	s8 =	smul.u32 $0x14000, s2  }
0x7: {  	[smem:$0x7FF] =	sst s4;
	s9 =	sadd.s32 $0xE400, s6;
	s23 =	smul.u32 $0x50000, s2  }
0x8: {  	s10 =	sadd.s32 $0x4400, s6;
	s13 =	sshll.u32 s2, $0x7;
	s5 =	smul.u32 $0x140000, s7  }
0x9: {  	s29 =	sshll.u32 s2, $0x6;
	_ =	strace $0x8000004A;
	s11 =	sshll.u32 s7, $0x4  }
0xa: {  	s7 =	ssub.s32 $0x2, s7;
	s26 =	sand.u32 $0x380, s13;
	s5 =	sadd.s32 s8, s5  }
0xb: {  	s22 =	sor.u32 s2, s11;
	s25 =	sshrl.u32 s23, $0x2;
	s8 =	sshrl.u32 s5, $0x3  }
0xc: {  	s5 =	sadd.s32 $0x66800, s6;
	s12 =	sadd.s32 s8, s6;
	s6 =	sshrl.u32 s22, $0x3  }
0xd: {  	s24 =	sshrl.u32 s7, $0x1;
	s28 =	sadd.s32 s25, s3;
	s6 =	smul.u32 $0x14000, s6  }
0xe: {  	s14 =	ssub.s32 s7, s24;
	s13 =	sshrl.u32 s28, $0x3;
	s11 =	sadd.s32 $0x69000, s12  }
0xf: {  	s12 =	smax.u32 s14, $0x1;
	s14 =	simm.s32 $0x1;
	s8 =	sor.u32 s26, s6  }
0x10: {  	s6 =	sor.u32 $0x1C01, s29;
	s30 =	sshrl.u32 s8, $0x3;
	s15 =	sadd.s32 $0xA000, s8  }
0x11: {  	s7 =	sadd.s32 s9, s30;
	s8 =	sadd.s32 s10, s30;
	s31 =	sshrl.u32 s15, $0x3  }
0x12: {  	s15 =	simm.s32 $0x80;
	s9 =	sadd.s32 s9, s31;
	s10 =	sadd.s32 s10, s31  }
.LBB2_1:
0x13: {  	[spmem:s13], [sflag:s6] =	dma.local [hbm:s5], $0x2800  }
0x14: {  	_ =	swait.ge [sflag:s14], $0x2800  }
0x15: {  	[sflag:s14] =	ssyncset.done $0x0  }
0x16: {  	[sflag:s14] =	ssyncadd.s32 $0xFFFFD800  }
0x17: {  	[bflag:$0x0] =	sbarrier.arrive $0xFFFF  }
0x18: {  	[tilespmem:s4], [sflag:$0x1] =	stream.strided.gather [hbm4b:s7+s15], $0x1400, s16, s15, $0x38;
	[tilespmem:$0x1E800] =	vst v63  }
0x19: {  	_ =	swait.ge [sflag:s14], $0x1400  }
0x1a: {  	[sflag:s14] =	ssyncset.done $0x0  }
0x1b: {  	[sflag:s14] =	ssyncadd.s32 $0xFFFFEC00  }
0x1c: {  	[tilespmem:s17], [sflag:$0x1] =	stream.strided.gather [hbm4b:s8+s15], $0x1400, s16, s15, $0x38;
	[tilespmem:$0x1E800] =	vst v63  }
0x1d: {  	_ =	swait.ge [sflag:s14], $0x1400  }
0x1e: {  	[sflag:s14] =	ssyncset.done $0x0  }
0x1f: {  	s21 =	simm.s32 $0x0;
	[sflag:s14] =	ssyncadd.s32 $0xFFFFEC00  }
0x20: {  	[tilespmem:s19], [sflag:$0x1] =	stream.indirect.gather [hbm4b:s0+s18], $0x80, s21, s18, $0xb8;
	[tilespmem:$0x1E800] =	vst v63  }
0x21: {  	_ =	swait.ge [sflag:s14], $0x8000  }
0x22: {  	[sflag:s14] =	ssyncset.done $0x0  }
0x23: {  	s31 =	simm.s32 $0x1400;
	[sflag:s14] =	ssyncadd.s32 $0xFFFF8000  }
0x24: {  	[spmem:s3] =	stream.indirect.scatter.add.f32 [tilespmem:s19], [sflag:$0x1], $0x80, s31, s18, $0xb8;
	[tilespmem:$0x1E800] =	vst v63  }
0x25: {  	_ =	swait.ge [sflag:s14], $0x8000  }
0x26: {  	s22 =	simm.s32 $0x800;
	s21 =	simm.s32 $0x400;
	[sflag:s14] =	ssyncset.done $0x0  }
.LBB2_2:
0x27: {  	s23 =	sshra.s32 s21, $0x2  }
0x28: {  	[sflag:s14] =	ssyncadd.s32 $0xFFFF8000;
	s21 =	smov.u32 s22;
	s24 =	sadd.s32 $0x400, s22  }
0x29: {  	[tilespmem:s19], [sflag:$0x1] =	stream.indirect.gather [hbm4b:s0+s18], $0x80, s23, s18, $0xb8;
	[tilespmem:$0x1E800] =	vst v63  }
0x2a: {  	p0 =	sne.s32 s22, $0x4C00;
	_ =	swait.ge [sflag:s14], $0x8000  }
.Ltmp0:
0x2b: {  	[sflag:s14] =	ssyncset.done $0x0;
	(pc) =	sbr.rel @p0 .LBB2_2-.Ltmp0, $4  }
0x2c: {  	s22 =	sadd.s32 $0x1400, s23;
	[sflag:s14] =	ssyncadd.s32 $0xFFFF8000  }
0x2d: {  	[spmem:s3] =	stream.indirect.scatter.add.f32 [tilespmem:s19], [sflag:$0x1], $0x80, s22, s18, $0xb8;
	[tilespmem:$0x1E800] =	vst v63  }
0x2e: {  	_ =	swait.ge [sflag:s14], $0x8000  }
0x2f: {  	s22 =	smov.u32 s24;
	[sflag:s14] =	ssyncset.done $0x0  }
0x30: {  	s21 =	sshra.s32 s21, $0x2;
	[sflag:s14] =	ssyncadd.s32 $0xFFFF8000  }
0x31: {  	[tilespmem:s19], [sflag:$0x1] =	stream.indirect.gather [hbm4b:s0+s18], $0x80, s21, s18, $0xb8;
	[tilespmem:$0x1E800] =	vst v63  }
0x32: {  	_ =	swait.ge [sflag:s14], $0x8000  }
0x33: {  	[sflag:s14] =	ssyncset.done $0x0  }
0x34: {  	s21 =	sadd.s32 $0x1400, s21;
	[sflag:s14] =	ssyncadd.s32 $0xFFFF8000  }
0x35: {  	[spmem:s3] =	stream.indirect.scatter.add.f32 [tilespmem:s19], [sflag:$0x1], $0x80, s21, s18, $0xb8;
	[tilespmem:$0x1E800] =	vst v63  }
0x36: {  	_ =	swait.ge [sflag:s14], $0x8000  }
0x37: {  	[sflag:s14] =	ssyncset.done $0x0  }
0x38: {  	s29 =	simm.s32 $0x0;
	[sflag:s14] =	ssyncadd.s32 $0xFFFF8000  }
0x39: {  	[tilespmem:s29], [sflag:$0x1] =	stream.strided.gather [hbm4b:s9+s15], $0x1400, s16, s15, $0x38;
	[tilespmem:$0x1E800] =	vst v63  }
0x3a: {  	_ =	swait.ge [sflag:s14], $0x1400  }
0x3b: {  	[sflag:s14] =	ssyncset.done $0x0  }
0x3c: {  	[sflag:s14] =	ssyncadd.s32 $0xFFFFEC00  }
0x3d: {  	[tilespmem:s17], [sflag:$0x1] =	stream.strided.gather [hbm4b:s10+s15], $0x1400, s16, s15, $0x38;
	[tilespmem:$0x1E800] =	vst v63  }
0x3e: {  	_ =	swait.ge [sflag:s14], $0x1400  }
0x3f: {  	[sflag:s14] =	ssyncset.done $0x0  }
0x40: {  	s30 =	simm.s32 $0x0;
	[sflag:s14] =	ssyncadd.s32 $0xFFFFEC00  }
0x41: {  	[tilespmem:s19], [sflag:$0x1] =	stream.indirect.gather [hbm4b:s0+s18], $0x80, s30, s18, $0xb8;
	[tilespmem:$0x1E800] =	vst v63  }
0x42: {  	_ =	swait.ge [sflag:s14], $0x8000  }
0x43: {  	[sflag:s14] =	ssyncset.done $0x0  }
0x44: {  	s31 =	simm.s32 $0x1400;
	[sflag:s14] =	ssyncadd.s32 $0xFFFF8000  }
0x45: {  	[spmem:s3] =	stream.indirect.scatter.add.f32 [tilespmem:s19], [sflag:$0x1], $0x80, s31, s18, $0xb8;
	[tilespmem:$0x1E800] =	vst v63  }
0x46: {  	_ =	swait.ge [sflag:s14], $0x8000  }
0x47: {  	s22 =	simm.s32 $0x800;
	s21 =	simm.s32 $0x400;
	[sflag:s14] =	ssyncset.done $0x0  }
.LBB2_4:
0x48: {  	s23 =	sshra.s32 s21, $0x2  }
0x49: {  	[sflag:s14] =	ssyncadd.s32 $0xFFFF8000;
	s21 =	smov.u32 s22;
	s24 =	sadd.s32 $0x400, s22  }
0x4a: {  	[tilespmem:s19], [sflag:$0x1] =	stream.indirect.gather [hbm4b:s0+s18], $0x80, s23, s18, $0xb8;
	[tilespmem:$0x1E800] =	vst v63  }
0x4b: {  	p0 =	sne.s32 s22, $0x4C00;
	_ =	swait.ge [sflag:s14], $0x8000  }
.Ltmp1:
0x4c: {  	[sflag:s14] =	ssyncset.done $0x0;
	(pc) =	sbr.rel @p0 .LBB2_4-.Ltmp1, $4  }
0x4d: {  	s22 =	sadd.s32 $0x1400, s23;
	[sflag:s14] =	ssyncadd.s32 $0xFFFF8000  }
0x4e: {  	[spmem:s3] =	stream.indirect.scatter.add.f32 [tilespmem:s19], [sflag:$0x1], $0x80, s22, s18, $0xb8;
	[tilespmem:$0x1E800] =	vst v63  }
0x4f: {  	_ =	swait.ge [sflag:s14], $0x8000  }
0x50: {  	s22 =	smov.u32 s24;
	[sflag:s14] =	ssyncset.done $0x0  }
0x51: {  	s21 =	sshra.s32 s21, $0x2;
	[sflag:s14] =	ssyncadd.s32 $0xFFFF8000  }
0x52: {  	[tilespmem:s19], [sflag:$0x1] =	stream.indirect.gather [hbm4b:s0+s18], $0x80, s21, s18, $0xb8;
	[tilespmem:$0x1E800] =	vst v63  }
0x53: {  	_ =	swait.ge [sflag:s14], $0x8000  }
0x54: {  	[sflag:s14] =	ssyncset.done $0x0  }
0x55: {  	s21 =	sadd.s32 $0x1400, s21;
	[sflag:s14] =	ssyncadd.s32 $0xFFFF8000  }
0x56: {  	[spmem:s3] =	stream.indirect.scatter.add.f32 [tilespmem:s19], [sflag:$0x1], $0x80, s21, s18, $0xb8;
	[tilespmem:$0x1E800] =	vst v63  }
0x57: {  	_ =	swait.ge [sflag:s14], $0x8000  }
0x58: {  	s20 =	sadd.s32 $0x1, s20;
	[sflag:s14] =	ssyncset.done $0x0  }
0x59: {  	p0 =	sne.s32 s20, s12;
	[sflag:s14] =	ssyncadd.s32 $0xFFFF8000  }
.Ltmp2:
0x5a: {  	[bflag:$0x0] =	sbarrier.arrive $0xFFFF;
	(pc) =	sbr.rel @p0 .LBB2_1-.Ltmp2, $4  }
0x5b: {  	[hbm:s11], [sflag:s6] =	dma.local [spmem:s13], $0x2800  }
0x5c: {  	_ =	swait.ge [sflag:s14], $0x2800  }
0x5d: {  	[sflag:s14] =	ssyncset.done $0x0  }
0x5e: {  	[sflag:s14] =	ssyncadd.s32 $0xFFFFD800  }
0x5f: {  	_ =	sfence.sel $0x180000  }
0x60: {  	[bflag:$0x0] =	sbarrier.arrive $0xFFFF  }
0x61: {  	p0 =	sne.s32 s2, $0x0;
	_ =	strace $0x9000004A  }
0x62: {  	s0 =	sadd.s32 @!p0 $0x100000, s1;
	[bflag:$0x2] =	sbarrier.arrive $0xFFFF  }
0x63: {  	[sflag:s0] =	ssyncadd.tile.s32 @!p0 $0x1;
	_ =	shalt  }
.Lfunc_end2:
_tile_overlayer_lowered:
.L_overlay_start_2:
0x64: {  	(tag) =	ssettag $0x2  }
0x65: {  	s0 =	rddreg [dreg:$0x0];
	s2 =	stileid.u32  }
0x66: {  	s1 =	rddreg [dreg:$0x1];
	p0 =	sne.s32 s2, $0x0  }
0x67: {  	s3 =	rddreg [dreg:$0x2];
	[bflag:$0x3] =	sbarrier.arrive $0xFFFF;
	s2 =	simm.s32 @!p0 $0x1C01  }
0x68: {  	[timem:s3], [sflag:s2] =	dma.local @!p0 [hbm:s0], s1  }
0x69: {  	s0 =	simm.s32 @!p0 $0x1  }
0x6a: {  	_ =	swait.ge @!p0 [sflag:s0], s1  }
0x6b: {  	s1 =	ssub.s32 @!p0 $0x0, s1;
	[sflag:s0] =	ssyncset.done @!p0 $0x0  }
0x6c: {  	[sflag:s0] =	ssyncadd.s32 @!p0 s1  }
0x6d: {  	[bflag:$0x3] =	sbarrier.arrive $0xFFFF  }
0x6e: {  	_ =	shalt  }

// kernel: kernel.14.cloned.1.call-start
scs
__scs_entry_jumppad:
0x0: {  	(pc) =	sbr.rel $0x88, $3  }
0x1: {  	(tag) =	ssettag $0x0;
	lr =	simm.s32 $0x1  }
0x2: {  	[smem:$0x3F9B] =	sst lr;
	_ =	strace $0xD0000000  }
0x3: {  	_ = 	snop  }
0x4: {  	_ = 	snop  }
0x5: {  	_ = 	snop  }
0x6: {  	_ = 	snop  }
0x7: {  	_ = 	snop  }
__scs_overlays_trampoline_lowered:
0x8: {  	[smem:$0x3FAA] =	sst s0  }
0x9: {  	[smem:$0x3FAB] =	sst s1  }
0xa: {  	[smem:$0x3FAC] =	sst s2  }
0xb: {  	[smem:$0x3FAD] =	sst s3  }
0xc: {  	[smem:$0x3FAE] =	sst s4  }
0xd: {  	[smem:$0x3FAF] =	sst s5  }
0xe: {  	[smem:$0x3FB0] =	sst s6  }
0xf: {  	[smem:$0x3FB1] =	sst s7  }
0x10: {  	[smem:$0x3FB2] =	sst s8  }
0x11: {  	[smem:$0x3FB3] =	sst s9;
	s0 =	simm.s32 @!p0 $0x0  }
0x12: {  	s1 =	sld [smem:$0x3F99];
	s0 =	simm.s32 @p0 $0x1  }
0x13: {  	[smem:$0x3FB4] =	sst s0;
	s0 =	simm.s32 @!p1 $0x0  }
0x14: {  	s2 =	sld [smem:$0x3F98];
	s0 =	simm.s32 @p1 $0x1  }
0x15: {  	[smem:$0x3FB5] =	sst s0;
	s0 =	simm.s32 @!p2 $0x0  }
0x16: {  	s3 =	sld [smem:$0x3FDB];
	s0 =	simm.s32 @p2 $0x1  }
0x17: {  	s4 =	simm.s32 $0x1BF5;
	[smem:$0x3FB7] =	sst s0  }
0x18: {  	s0 =	sld [smem:$0x3F9A];
	_ =	swait.ge [sflag:s4], $0x0  }
0x19: {  	s7 =	sld [smem:$0x3F9B]  }
0x1a: {  	s8 =	sadd.s32 $0xFFFFE003, lr  }
0x1b: {  	s9 =	sadd.s32 $0xFFFFFEF7, lr;
	s5 =	simm.s32 $0xFFFFFFFF;
	p2 =	slt.u32 s8, $0xFFFFF086  }
0x1c: {  	p1 =	slt.u32 s9, $0xF7A;
	s5 =	simm.s32 @!p2 $0x0  }
0x1d: {  	s5 =	simm.s32 @p1 $0x1;
	p0 =	seq.s32 s7, s2  }
0x1e: {  	s7 =	smul.u32 @!p0 $0xF7A, s2;
	p2 =	seq.s32 @!p0 s5, $0x0  }
0x1f: {  	s9 =	smul.u32 $0xF7A, s1;
	s8 =	simm.s32 @!p0 $0x1BF5;
	p2 =	por !p2, p0  }
0x20: {  	[sflag:s8] =	ssyncset.s32 @!p0 $0xFFFFF086;
	s6 =	sadd.s32 @!p0 s3, s7;
	s7 =	simm.s32 @!p0 $0x108  }
0x21: {  	s3 =	sadd.s32 s3, s9;
	s6 =	sadd.s32 @!p0 $0x88, s6;
	s7 =	simm.s32 @p2 $0x1082  }
0x22: {  	[simem:s7], [sflag:s8] =	dma.local @!p0 [hbm:s6], $0xF7A  }
0x23: {  	s9 =	sor.u32 $0xD0000000, s2;
	s6 =	simm.s32 $0x108;
	_ =	swait.ge @!p0 [sflag:s8], $0x0  }
0x24: {  	s3 =	sadd.s32 $0x88, s3;
	s6 =	simm.s32 @!p1 $0x1082;
	[sflag:s4] =	ssyncset.s32 $0xFFFFF086  }
0x25: {  	[simem:s6], [sflag:s4] =	dma.local [hbm:s3], $0xF7A  }
0x26: {  	[smem:$0x3F9B] =	sst s1;
	(tag) =	ssettag s2;
	_ =	strace s9  }
0x27: {  	s1 =	sld [smem:$0x3FAB]  }
0x28: {  	s2 =	sld [smem:$0x3FAC]  }
0x29: {  	s4 =	sld [smem:$0x3FAE]  }
0x2a: {  	p0 =	seq.s32 s5, $0x0;
	s5 =	sld [smem:$0x3FAF]  }
0x2b: {  	s6 =	sld [smem:$0x3FB0]  }
0x2c: {  	s7 =	sld [smem:$0x3FB1]  }
0x2d: {  	s3 =	simm.s32 $0x108;
	s8 =	sld [smem:$0x3FB2]  }
0x2e: {  	s3 =	simm.s32 @!p0 $0x1082;
	s9 =	sld [smem:$0x3FB3]  }
0x2f: {  	lr =	sadd.s32 s0, s3;
	s0 =	sld [smem:$0x3FAA]  }
0x30: {  	s3 =	sld [smem:$0x3FAD]  }
0x31: {  	[smem:$0x3FB6] =	sst s10  }
0x32: {  	s10 =	sld [smem:$0x3FB4];
	_ =	sdelay $0x3  }
0x33: {  	p0 =	seq.s32 s10, $0x1;
	s10 =	sld [smem:$0x3FB6];
	_ =	sdelay $0x3  }
0x34: {  	[smem:$0x3FB6] =	sst s10  }
0x35: {  	s10 =	sld [smem:$0x3FB5];
	_ =	sdelay $0x3  }
0x36: {  	p1 =	seq.s32 s10, $0x1;
	s10 =	sld [smem:$0x3FB6];
	_ =	sdelay $0x3  }
0x37: {  	[smem:$0x3FB6] =	sst s10  }
0x38: {  	s10 =	sld [smem:$0x3FB7]  }
0x39: {  	_ = 	snop;
	(pc) =	sbr.ind lr, $3  }
0x3a: {  	_ = 	snop  }
0x3b: {  	_ = 	snop  }
0x3c: {  	p2 =	seq.s32 s10, $0x1;
	s10 =	sld [smem:$0x3FB6]  }
0x3d: {  	_ =	shalt  }
0x3e: {  	_ =	shalt  }
0x3f: {  	_ =	shalt  }
0x40: {  	_ =	shalt  }
0x41: {  	_ =	shalt  }
0x42: {  	_ =	shalt  }
0x43: {  	_ =	shalt  }
0x44: {  	_ =	shalt  }
0x45: {  	_ =	shalt  }
0x46: {  	_ =	shalt  }
0x47: {  	_ =	shalt  }
0x48: {  	_ =	shalt  }
0x49: {  	_ =	shalt  }
0x4a: {  	_ =	shalt  }
0x4b: {  	_ =	shalt  }
0x4c: {  	_ =	shalt  }
0x4d: {  	_ =	shalt  }
0x4e: {  	_ =	shalt  }
0x4f: {  	_ =	shalt  }
0x50: {  	_ =	shalt  }
0x51: {  	_ =	shalt  }
0x52: {  	_ =	shalt  }
0x53: {  	_ =	shalt  }
0x54: {  	_ =	shalt  }
0x55: {  	_ =	shalt  }
0x56: {  	_ =	shalt  }
0x57: {  	_ =	shalt  }
0x58: {  	_ =	shalt  }
0x59: {  	_ =	shalt  }
0x5a: {  	_ =	shalt  }
0x5b: {  	_ =	shalt  }
0x5c: {  	_ =	shalt  }
0x5d: {  	_ =	shalt  }
0x5e: {  	_ =	shalt  }
0x5f: {  	_ =	shalt  }
0x60: {  	_ =	shalt  }
0x61: {  	_ =	shalt  }
0x62: {  	_ =	shalt  }
0x63: {  	_ =	shalt  }
0x64: {  	_ =	shalt  }
0x65: {  	_ =	shalt  }
0x66: {  	_ =	shalt  }
0x67: {  	_ =	shalt  }
0x68: {  	_ =	shalt  }
0x69: {  	_ =	shalt  }
0x6a: {  	_ =	shalt  }
0x6b: {  	_ =	shalt  }
0x6c: {  	_ =	shalt  }
0x6d: {  	_ =	shalt  }
0x6e: {  	_ =	shalt  }
0x6f: {  	_ =	shalt  }
0x70: {  	_ =	shalt  }
0x71: {  	_ =	shalt  }
0x72: {  	_ =	shalt  }
0x73: {  	_ =	shalt  }
0x74: {  	_ =	shalt  }
0x75: {  	_ =	shalt  }
0x76: {  	_ =	shalt  }
0x77: {  	_ =	shalt  }
0x78: {  	_ =	shalt  }
0x79: {  	_ =	shalt  }
0x7a: {  	_ =	shalt  }
0x7b: {  	_ =	shalt  }
0x7c: {  	_ =	shalt  }
0x7d: {  	_ =	shalt  }
0x7e: {  	_ =	shalt  }
0x7f: {  	_ =	shalt  }
0x80: {  	_ =	shalt  }
0x81: {  	_ =	shalt  }
0x82: {  	_ =	shalt  }
0x83: {  	_ =	shalt  }
0x84: {  	_ =	shalt  }
0x85: {  	_ =	shalt  }
0x86: {  	_ =	shalt  }
0x87: {  	_ =	shalt  }
.Lfunc_end0:
.L_simem_size_0:
called_computation.2_lowered:
.L_overlay_start_0:
0x88: {  	s2 =	sld [smem:$0x3FD9]  }
0x89: {  	s3 =	sld [smem:$0x3FFE];
	_ =	sdelay $0x1  }
0x8a: {  	s1 =	srdreg.scid  }
0x8b: {  	s0 =	sand.u32 $0x1, s1  }
0x8c: {  	s17 =	sshll.u32 s0, $0xA;
	s2 =	sadd.s32 s3, s2  }
0x8d: {  	s2 =	sadd.s32 s2, s17  }
0x8e: {  	[smem:$0x3FC2] =	sst s2  }
0x8f: {  	_ = 	snop  }
0x90: {  	s2 =	sld [smem:$0x3FD0];
	(tm) =	ssettm $0x1  }
0x91: {  	s18 =	sld [smem:$0x3FFB];
	_ =	sdelay $0x3  }
0x92: {  	_ =	strace s18  }
0x93: {  	s3 =	sld [smem:$0x3FFC];
	_ =	sdelay $0x3  }
0x94: {  	_ =	strace s3  }
0x95: {  	s3 =	sld [smem:$0x3FFD];
	_ =	sdelay $0x3  }
0x96: {  	_ =	strace s3  }
0x97: {  	_ =	strace $0x8FFFFFFF  }
0x98: {  	s19 =	sld [smem:$0x3FDB];
	_ =	sdelay $0x1  }
0x99: {  	s4 =	simm.s32 $_scs_section_size  }
0x9a: {  	s5 =	simm.s32 $_size__tile_overlayer_lowered;
	s6 =	simm.s32 $_tile_overlayer_lowered  }
0x9b: {  	s22 =	simm.s32 $0x1BFF;
	s21 =	sshll.u32 s6, $0x1;
	s3 =	sadd.s32 s4, s19  }
0x9c: {  	s7 =	simm.s32 $0x0;
	s20 =	sshll.u32 s5, $0x1;
	s5 =	sadd.s32 s21, s3  }
0x9d: {  	[timem:s7], [sflag:s22] =	dma.local [hbm:s5], s20  }
0x9e: {  	_ =	swait.ge [sflag:s22], s20  }
0x9f: {  	s4 =	ssub.s32 $0x0, s20;
	[sflag:s22] =	ssyncset.done $0x0  }
0xa0: {  	[sflag:s22] =	ssyncadd.s32 s4;
	_ =	sdelay $0x1  }
0xa1: {  	s23 =	simm.s32 $0x1B8B  }
0xa2: {  	_ =	swait.ge [sflag:s23], $0x1  }
0xa3: {  	[sflag:s23] =	ssyncset.done $0x0  }
0xa4: {  	s25 =	simm.s32 $0x1B8E;
	s24 =	sld [smem:$0x3FFE];
	[sflag:s23] =	ssyncadd.s32 $0xFFFFFFFF  }
0xa5: {  	s26 =	simm.s32 $execute0_lowered;
	[smem:$0x3FD2] =	sst s25  }
0xa6: {  	s5 =	sshll.u32 s26, $0x1;
	_ =	strace $0x8000004C;
	[dreg:$0x1] =	wrdreg $0xFFFFFFFF  }
0xa7: {  	s28 =	simm.s32 $_size_execute0_lowered;
	s3 =	sadd.s32 s3, s5;
	[dreg:$0x0] =	wrdreg $0x0  }
0xa8: {  	s5 =	sshll.u32 s28, $0x1;
	[dreg:$0x2] =	wrdreg s3  }
0xa9: {  	[dreg:$0x3] =	wrdreg s5  }
0xaa: {  	[dreg:$0x4] =	wrdreg $0xC0  }
0xab: {  	_ =	task [dreg:s7], $0x5FFFF  }
0xac: {  	[dreg:$0x1] =	wrdreg $0xFFFFFFFF  }
0xad: {  	[dreg:$0x0] =	wrdreg $0x60  }
0xae: {  	[dreg:$0x2] =	wrdreg s2  }
0xaf: {  	[dreg:$0x3] =	wrdreg s24  }
0xb0: {  	[dreg:$0x4] =	wrdreg $0xA8000  }
0xb1: {  	[dreg:$0x5] =	wrdreg $0x9  }
0xb2: {  	_ =	task.clear_ibuf [dreg:s7], $0x6FFFF;
	_ =	strace $0x9000004C  }
0xb3: {  	s29 =	simm.s32 $0x9;
	_ =	strace $0x8000004E  }
0xb4: {  	_ =	swait.ge [sflag:s29], $0x1  }
0xb5: {  	[sflag:s29] =	ssyncadd.s32 $0xFFFFFFFF  }
0xb6: {  	_ =	strace $0x9000004E  }
0xb7: {  	_ =	sfence  }
0xb8: {  	s30 =	sld [smem:$0x0];
	_ =	sdelay $0x2  }
0xb9: {  	s31 =	sshll.u32 s1, $0xD;
	s1 =	sshrl.u32 s1, $0x2  }
0xba: {  	s3 =	sand.u32 $0x4000, s31;
	s1 =	sadd.s32 s1, s30  }
0xbb: {  	s0 =	sor.u32 s3, s0;
	s1 =	sshll.u32 s1, $0x11  }
0xbc: {  	s0 =	sor.u32 s1, s0  }
0xbd: {  	s0 =	sadd.s32 $0x8F2B, s0  }
0xbe: {  	[sflag:s0] =	ssyncadd.remote.s32 $0x1  }
0xbf: {  	_ =	sfence.sel $0xFFFF  }
0xc0: {  	[dreg:$0x0] =	wrdreg $0xFFFFFFFF;
	(pc) =	sbr.abs _section_cstart, $3  }
0xc1: {  	[dreg:$0x1] =	wrdreg $0xFFFFFFFF  }
0xc2: {  	_ =	task.clear_ibuf [dreg:s7], $0x2FFFF;
	_ =	strace $0x9FFFFFFF  }
0xc3: {  	(tm) =	ssettm $0x7FFFFFFF  }
tec
execute0_lowered:
.L_overlay_start_1:
0x0: {  	(tag) =	ssettag $0x1  }
0x1: {  	s0 =	rddreg [dreg:$0x0]  }
0x2: {  	s6 =	rddreg [dreg:$0x1];
	s1 =	srdreg.scid  }
0x3: {  	s3 =	rddreg [dreg:$0x2];
	s2 =	stileid.u32  }
0x4: {  	s4 =	simm.s32 $0x0;
	s16 =	simm.s32 $0x400;
	s17 =	simm.s32 $0x1400  }
0x5: {  	s18 =	simm.s32 $0x100;
	s19 =	simm.s32 $0x2800;
	s20 =	simm.s32 $0x0  }
0x6: {  	s7 =	sand.u32 $0x1, s1;
	s1 =	rddreg [dreg:$0x3];
	s8 =	smul.u32 $0x14000, s2  }
0x7: {  	[smem:$0x7FF] =	sst s4;
	s9 =	sadd.s32 $0xE400, s6;
	s23 =	smul.u32 $0x50000, s2  }
0x8: {  	s10 =	sadd.s32 $0x4400, s6;
	s13 =	sshll.u32 s2, $0x7;
	s5 =	smul.u32 $0x140000, s7  }
0x9: {  	s29 =	sshll.u32 s2, $0x6;
	_ =	strace $0x8000004D;
	s11 =	sshll.u32 s7, $0x4  }
0xa: {  	s7 =	ssub.s32 $0x2, s7;
	s26 =	sand.u32 $0x380, s13;
	s5 =	sadd.s32 s8, s5  }
0xb: {  	s22 =	sor.u32 s2, s11;
	s25 =	sshrl.u32 s23, $0x2;
	s8 =	sshrl.u32 s5, $0x3  }
0xc: {  	s5 =	sadd.s32 $0x66800, s6;
	s12 =	sadd.s32 s8, s6;
	s6 =	sshrl.u32 s22, $0x3  }
0xd: {  	s24 =	sshrl.u32 s7, $0x1;
	s28 =	sadd.s32 s25, s3;
	s6 =	smul.u32 $0x14000, s6  }
0xe: {  	s14 =	ssub.s32 s7, s24;
	s13 =	sshrl.u32 s28, $0x3;
	s11 =	sadd.s32 $0x69000, s12  }
0xf: {  	s12 =	smax.u32 s14, $0x1;
	s14 =	simm.s32 $0x1;
	s8 =	sor.u32 s26, s6  }
0x10: {  	s6 =	sor.u32 $0x1C01, s29;
	s30 =	sshrl.u32 s8, $0x3;
	s15 =	sadd.s32 $0xA000, s8  }
0x11: {  	s7 =	sadd.s32 s9, s30;
	s8 =	sadd.s32 s10, s30;
	s31 =	sshrl.u32 s15, $0x3  }
0x12: {  	s15 =	simm.s32 $0x80;
	s9 =	sadd.s32 s9, s31;
	s10 =	sadd.s32 s10, s31  }
.LBB2_1:
0x13: {  	[spmem:s13], [sflag:s6] =	dma.local [hbm:s5], $0x2800  }
0x14: {  	_ =	swait.ge [sflag:s14], $0x2800  }
0x15: {  	[sflag:s14] =	ssyncset.done $0x0  }
0x16: {  	[sflag:s14] =	ssyncadd.s32 $0xFFFFD800  }
0x17: {  	[bflag:$0x0] =	sbarrier.arrive $0xFFFF  }
0x18: {  	[tilespmem:s4], [sflag:$0x1] =	stream.strided.gather [hbm4b:s7+s15], $0x1400, s16, s15, $0x38;
	[tilespmem:$0x1E800] =	vst v63  }
0x19: {  	_ =	swait.ge [sflag:s14], $0x1400  }
0x1a: {  	[sflag:s14] =	ssyncset.done $0x0  }
0x1b: {  	[sflag:s14] =	ssyncadd.s32 $0xFFFFEC00  }
0x1c: {  	[tilespmem:s17], [sflag:$0x1] =	stream.strided.gather [hbm4b:s8+s15], $0x1400, s16, s15, $0x38;
	[tilespmem:$0x1E800] =	vst v63  }
0x1d: {  	_ =	swait.ge [sflag:s14], $0x1400  }
0x1e: {  	[sflag:s14] =	ssyncset.done $0x0  }
0x1f: {  	s21 =	simm.s32 $0x0;
	[sflag:s14] =	ssyncadd.s32 $0xFFFFEC00  }
0x20: {  	[tilespmem:s19], [sflag:$0x1] =	stream.indirect.gather [hbm4b:s0+s18], $0x80, s21, s18, $0xb8;
	[tilespmem:$0x1E800] =	vst v63  }
0x21: {  	_ =	swait.ge [sflag:s14], $0x8000  }
0x22: {  	[sflag:s14] =	ssyncset.done $0x0  }
0x23: {  	s31 =	simm.s32 $0x1400;
	[sflag:s14] =	ssyncadd.s32 $0xFFFF8000  }
0x24: {  	[spmem:s3] =	stream.indirect.scatter.add.f32 [tilespmem:s19], [sflag:$0x1], $0x80, s31, s18, $0xb8;
	[tilespmem:$0x1E800] =	vst v63  }
0x25: {  	_ =	swait.ge [sflag:s14], $0x8000  }
0x26: {  	s22 =	simm.s32 $0x800;
	s21 =	simm.s32 $0x400;
	[sflag:s14] =	ssyncset.done $0x0  }
.LBB2_2:
0x27: {  	s23 =	sshra.s32 s21, $0x2  }
0x28: {  	[sflag:s14] =	ssyncadd.s32 $0xFFFF8000;
	s21 =	smov.u32 s22;
	s24 =	sadd.s32 $0x400, s22  }
0x29: {  	[tilespmem:s19], [sflag:$0x1] =	stream.indirect.gather [hbm4b:s0+s18], $0x80, s23, s18, $0xb8;
	[tilespmem:$0x1E800] =	vst v63  }
0x2a: {  	p0 =	sne.s32 s22, $0x4C00;
	_ =	swait.ge [sflag:s14], $0x8000  }
.Ltmp0:
0x2b: {  	[sflag:s14] =	ssyncset.done $0x0;
	(pc) =	sbr.rel @p0 .LBB2_2-.Ltmp0, $4  }
0x2c: {  	s22 =	sadd.s32 $0x1400, s23;
	[sflag:s14] =	ssyncadd.s32 $0xFFFF8000  }
0x2d: {  	[spmem:s3] =	stream.indirect.scatter.add.f32 [tilespmem:s19], [sflag:$0x1], $0x80, s22, s18, $0xb8;
	[tilespmem:$0x1E800] =	vst v63  }
0x2e: {  	_ =	swait.ge [sflag:s14], $0x8000  }
0x2f: {  	s22 =	smov.u32 s24;
	[sflag:s14] =	ssyncset.done $0x0  }
0x30: {  	s21 =	sshra.s32 s21, $0x2;
	[sflag:s14] =	ssyncadd.s32 $0xFFFF8000  }
0x31: {  	[tilespmem:s19], [sflag:$0x1] =	stream.indirect.gather [hbm4b:s0+s18], $0x80, s21, s18, $0xb8;
	[tilespmem:$0x1E800] =	vst v63  }
0x32: {  	_ =	swait.ge [sflag:s14], $0x8000  }
0x33: {  	[sflag:s14] =	ssyncset.done $0x0  }
0x34: {  	s21 =	sadd.s32 $0x1400, s21;
	[sflag:s14] =	ssyncadd.s32 $0xFFFF8000  }
0x35: {  	[spmem:s3] =	stream.indirect.scatter.add.f32 [tilespmem:s19], [sflag:$0x1], $0x80, s21, s18, $0xb8;
	[tilespmem:$0x1E800] =	vst v63  }
0x36: {  	_ =	swait.ge [sflag:s14], $0x8000  }
0x37: {  	[sflag:s14] =	ssyncset.done $0x0  }
0x38: {  	s29 =	simm.s32 $0x0;
	[sflag:s14] =	ssyncadd.s32 $0xFFFF8000  }
0x39: {  	[tilespmem:s29], [sflag:$0x1] =	stream.strided.gather [hbm4b:s9+s15], $0x1400, s16, s15, $0x38;
	[tilespmem:$0x1E800] =	vst v63  }
0x3a: {  	_ =	swait.ge [sflag:s14], $0x1400  }
0x3b: {  	[sflag:s14] =	ssyncset.done $0x0  }
0x3c: {  	[sflag:s14] =	ssyncadd.s32 $0xFFFFEC00  }
0x3d: {  	[tilespmem:s17], [sflag:$0x1] =	stream.strided.gather [hbm4b:s10+s15], $0x1400, s16, s15, $0x38;
	[tilespmem:$0x1E800] =	vst v63  }
0x3e: {  	_ =	swait.ge [sflag:s14], $0x1400  }
0x3f: {  	[sflag:s14] =	ssyncset.done $0x0  }
0x40: {  	s30 =	simm.s32 $0x0;
	[sflag:s14] =	ssyncadd.s32 $0xFFFFEC00  }
0x41: {  	[tilespmem:s19], [sflag:$0x1] =	stream.indirect.gather [hbm4b:s0+s18], $0x80, s30, s18, $0xb8;
	[tilespmem:$0x1E800] =	vst v63  }
0x42: {  	_ =	swait.ge [sflag:s14], $0x8000  }
0x43: {  	[sflag:s14] =	ssyncset.done $0x0  }
0x44: {  	s31 =	simm.s32 $0x1400;
	[sflag:s14] =	ssyncadd.s32 $0xFFFF8000  }
0x45: {  	[spmem:s3] =	stream.indirect.scatter.add.f32 [tilespmem:s19], [sflag:$0x1], $0x80, s31, s18, $0xb8;
	[tilespmem:$0x1E800] =	vst v63  }
0x46: {  	_ =	swait.ge [sflag:s14], $0x8000  }
0x47: {  	s22 =	simm.s32 $0x800;
	s21 =	simm.s32 $0x400;
	[sflag:s14] =	ssyncset.done $0x0  }
.LBB2_4:
0x48: {  	s23 =	sshra.s32 s21, $0x2  }
0x49: {  	[sflag:s14] =	ssyncadd.s32 $0xFFFF8000;
	s21 =	smov.u32 s22;
	s24 =	sadd.s32 $0x400, s22  }
0x4a: {  	[tilespmem:s19], [sflag:$0x1] =	stream.indirect.gather [hbm4b:s0+s18], $0x80, s23, s18, $0xb8;
	[tilespmem:$0x1E800] =	vst v63  }
0x4b: {  	p0 =	sne.s32 s22, $0x4C00;
	_ =	swait.ge [sflag:s14], $0x8000  }
.Ltmp1:
0x4c: {  	[sflag:s14] =	ssyncset.done $0x0;
	(pc) =	sbr.rel @p0 .LBB2_4-.Ltmp1, $4  }
0x4d: {  	s22 =	sadd.s32 $0x1400, s23;
	[sflag:s14] =	ssyncadd.s32 $0xFFFF8000  }
0x4e: {  	[spmem:s3] =	stream.indirect.scatter.add.f32 [tilespmem:s19], [sflag:$0x1], $0x80, s22, s18, $0xb8;
	[tilespmem:$0x1E800] =	vst v63  }
0x4f: {  	_ =	swait.ge [sflag:s14], $0x8000  }
0x50: {  	s22 =	smov.u32 s24;
	[sflag:s14] =	ssyncset.done $0x0  }
0x51: {  	s21 =	sshra.s32 s21, $0x2;
	[sflag:s14] =	ssyncadd.s32 $0xFFFF8000  }
0x52: {  	[tilespmem:s19], [sflag:$0x1] =	stream.indirect.gather [hbm4b:s0+s18], $0x80, s21, s18, $0xb8;
	[tilespmem:$0x1E800] =	vst v63  }
0x53: {  	_ =	swait.ge [sflag:s14], $0x8000  }
0x54: {  	[sflag:s14] =	ssyncset.done $0x0  }
0x55: {  	s21 =	sadd.s32 $0x1400, s21;
	[sflag:s14] =	ssyncadd.s32 $0xFFFF8000  }
0x56: {  	[spmem:s3] =	stream.indirect.scatter.add.f32 [tilespmem:s19], [sflag:$0x1], $0x80, s21, s18, $0xb8;
	[tilespmem:$0x1E800] =	vst v63  }
0x57: {  	_ =	swait.ge [sflag:s14], $0x8000  }
0x58: {  	s20 =	sadd.s32 $0x1, s20;
	[sflag:s14] =	ssyncset.done $0x0  }
0x59: {  	p0 =	sne.s32 s20, s12;
	[sflag:s14] =	ssyncadd.s32 $0xFFFF8000  }
.Ltmp2:
0x5a: {  	[bflag:$0x0] =	sbarrier.arrive $0xFFFF;
	(pc) =	sbr.rel @p0 .LBB2_1-.Ltmp2, $4  }
0x5b: {  	[hbm:s11], [sflag:s6] =	dma.local [spmem:s13], $0x2800  }
0x5c: {  	_ =	swait.ge [sflag:s14], $0x2800  }
0x5d: {  	[sflag:s14] =	ssyncset.done $0x0  }
0x5e: {  	[sflag:s14] =	ssyncadd.s32 $0xFFFFD800  }
0x5f: {  	_ =	sfence.sel $0x180000  }
0x60: {  	[bflag:$0x0] =	sbarrier.arrive $0xFFFF  }
0x61: {  	p0 =	sne.s32 s2, $0x0;
	_ =	strace $0x9000004D  }
0x62: {  	s0 =	sadd.s32 @!p0 $0x100000, s1;
	[bflag:$0x2] =	sbarrier.arrive $0xFFFF  }
0x63: {  	[sflag:s0] =	ssyncadd.tile.s32 @!p0 $0x1;
	_ =	shalt  }
.Lfunc_end2:
_tile_overlayer_lowered:
.L_overlay_start_2:
0x64: {  	(tag) =	ssettag $0x2  }
0x65: {  	s0 =	rddreg [dreg:$0x0];
	s2 =	stileid.u32  }
0x66: {  	s1 =	rddreg [dreg:$0x1];
	p0 =	sne.s32 s2, $0x0  }
0x67: {  	s3 =	rddreg [dreg:$0x2];
	[bflag:$0x3] =	sbarrier.arrive $0xFFFF;
	s2 =	simm.s32 @!p0 $0x1C01  }
0x68: {  	[timem:s3], [sflag:s2] =	dma.local @!p0 [hbm:s0], s1  }
0x69: {  	s0 =	simm.s32 @!p0 $0x1  }
0x6a: {  	_ =	swait.ge @!p0 [sflag:s0], s1  }
0x6b: {  	s1 =	ssub.s32 @!p0 $0x0, s1;
	[sflag:s0] =	ssyncset.done @!p0 $0x0  }
0x6c: {  	[sflag:s0] =	ssyncadd.s32 @!p0 s1  }
0x6d: {  	[bflag:$0x3] =	sbarrier.arrive $0xFFFF  }
0x6e: {  	_ =	shalt  }

// kernel: kernel.8.cloned.1.call-start
scs
__scs_entry_jumppad:
0x0: {  	(pc) =	sbr.rel $0x88, $3  }
0x1: {  	(tag) =	ssettag $0x0;
	lr =	simm.s32 $0x1  }
0x2: {  	[smem:$0x3F9B] =	sst lr;
	_ =	strace $0xD0000000  }
0x3: {  	_ = 	snop  }
0x4: {  	_ = 	snop  }
0x5: {  	_ = 	snop  }
0x6: {  	_ = 	snop  }
0x7: {  	_ = 	snop  }
__scs_overlays_trampoline_lowered:
0x8: {  	[smem:$0x3FAA] =	sst s0  }
0x9: {  	[smem:$0x3FAB] =	sst s1  }
0xa: {  	[smem:$0x3FAC] =	sst s2  }
0xb: {  	[smem:$0x3FAD] =	sst s3  }
0xc: {  	[smem:$0x3FAE] =	sst s4  }
0xd: {  	[smem:$0x3FAF] =	sst s5  }
0xe: {  	[smem:$0x3FB0] =	sst s6  }
0xf: {  	[smem:$0x3FB1] =	sst s7  }
0x10: {  	[smem:$0x3FB2] =	sst s8  }
0x11: {  	[smem:$0x3FB3] =	sst s9;
	s0 =	simm.s32 @!p0 $0x0  }
0x12: {  	s1 =	sld [smem:$0x3F99];
	s0 =	simm.s32 @p0 $0x1  }
0x13: {  	[smem:$0x3FB4] =	sst s0;
	s0 =	simm.s32 @!p1 $0x0  }
0x14: {  	s2 =	sld [smem:$0x3F98];
	s0 =	simm.s32 @p1 $0x1  }
0x15: {  	[smem:$0x3FB5] =	sst s0;
	s0 =	simm.s32 @!p2 $0x0  }
0x16: {  	s3 =	sld [smem:$0x3FDB];
	s0 =	simm.s32 @p2 $0x1  }
0x17: {  	s4 =	simm.s32 $0x1BF5;
	[smem:$0x3FB7] =	sst s0  }
0x18: {  	s0 =	sld [smem:$0x3F9A];
	_ =	swait.ge [sflag:s4], $0x0  }
0x19: {  	s7 =	sld [smem:$0x3F9B]  }
0x1a: {  	s8 =	sadd.s32 $0xFFFFE003, lr  }
0x1b: {  	s9 =	sadd.s32 $0xFFFFFEF7, lr;
	s5 =	simm.s32 $0xFFFFFFFF;
	p2 =	slt.u32 s8, $0xFFFFF086  }
0x1c: {  	p1 =	slt.u32 s9, $0xF7A;
	s5 =	simm.s32 @!p2 $0x0  }
0x1d: {  	s5 =	simm.s32 @p1 $0x1;
	p0 =	seq.s32 s7, s2  }
0x1e: {  	s7 =	smul.u32 @!p0 $0xF7A, s2;
	p2 =	seq.s32 @!p0 s5, $0x0  }
0x1f: {  	s9 =	smul.u32 $0xF7A, s1;
	s8 =	simm.s32 @!p0 $0x1BF5;
	p2 =	por !p2, p0  }
0x20: {  	[sflag:s8] =	ssyncset.s32 @!p0 $0xFFFFF086;
	s6 =	sadd.s32 @!p0 s3, s7;
	s7 =	simm.s32 @!p0 $0x108  }
0x21: {  	s3 =	sadd.s32 s3, s9;
	s6 =	sadd.s32 @!p0 $0x88, s6;
	s7 =	simm.s32 @p2 $0x1082  }
0x22: {  	[simem:s7], [sflag:s8] =	dma.local @!p0 [hbm:s6], $0xF7A  }
0x23: {  	s9 =	sor.u32 $0xD0000000, s2;
	s6 =	simm.s32 $0x108;
	_ =	swait.ge @!p0 [sflag:s8], $0x0  }
0x24: {  	s3 =	sadd.s32 $0x88, s3;
	s6 =	simm.s32 @!p1 $0x1082;
	[sflag:s4] =	ssyncset.s32 $0xFFFFF086  }
0x25: {  	[simem:s6], [sflag:s4] =	dma.local [hbm:s3], $0xF7A  }
0x26: {  	[smem:$0x3F9B] =	sst s1;
	(tag) =	ssettag s2;
	_ =	strace s9  }
0x27: {  	s1 =	sld [smem:$0x3FAB]  }
0x28: {  	s2 =	sld [smem:$0x3FAC]  }
0x29: {  	s4 =	sld [smem:$0x3FAE]  }
0x2a: {  	p0 =	seq.s32 s5, $0x0;
	s5 =	sld [smem:$0x3FAF]  }
0x2b: {  	s6 =	sld [smem:$0x3FB0]  }
0x2c: {  	s7 =	sld [smem:$0x3FB1]  }
0x2d: {  	s3 =	simm.s32 $0x108;
	s8 =	sld [smem:$0x3FB2]  }
0x2e: {  	s3 =	simm.s32 @!p0 $0x1082;
	s9 =	sld [smem:$0x3FB3]  }
0x2f: {  	lr =	sadd.s32 s0, s3;
	s0 =	sld [smem:$0x3FAA]  }
0x30: {  	s3 =	sld [smem:$0x3FAD]  }
0x31: {  	[smem:$0x3FB6] =	sst s10  }
0x32: {  	s10 =	sld [smem:$0x3FB4];
	_ =	sdelay $0x3  }
0x33: {  	p0 =	seq.s32 s10, $0x1;
	s10 =	sld [smem:$0x3FB6];
	_ =	sdelay $0x3  }
0x34: {  	[smem:$0x3FB6] =	sst s10  }
0x35: {  	s10 =	sld [smem:$0x3FB5];
	_ =	sdelay $0x3  }
0x36: {  	p1 =	seq.s32 s10, $0x1;
	s10 =	sld [smem:$0x3FB6];
	_ =	sdelay $0x3  }
0x37: {  	[smem:$0x3FB6] =	sst s10  }
0x38: {  	s10 =	sld [smem:$0x3FB7]  }
0x39: {  	_ = 	snop;
	(pc) =	sbr.ind lr, $3  }
0x3a: {  	_ = 	snop  }
0x3b: {  	_ = 	snop  }
0x3c: {  	p2 =	seq.s32 s10, $0x1;
	s10 =	sld [smem:$0x3FB6]  }
0x3d: {  	_ =	shalt  }
0x3e: {  	_ =	shalt  }
0x3f: {  	_ =	shalt  }
0x40: {  	_ =	shalt  }
0x41: {  	_ =	shalt  }
0x42: {  	_ =	shalt  }
0x43: {  	_ =	shalt  }
0x44: {  	_ =	shalt  }
0x45: {  	_ =	shalt  }
0x46: {  	_ =	shalt  }
0x47: {  	_ =	shalt  }
0x48: {  	_ =	shalt  }
0x49: {  	_ =	shalt  }
0x4a: {  	_ =	shalt  }
0x4b: {  	_ =	shalt  }
0x4c: {  	_ =	shalt  }
0x4d: {  	_ =	shalt  }
0x4e: {  	_ =	shalt  }
0x4f: {  	_ =	shalt  }
0x50: {  	_ =	shalt  }
0x51: {  	_ =	shalt  }
0x52: {  	_ =	shalt  }
0x53: {  	_ =	shalt  }
0x54: {  	_ =	shalt  }
0x55: {  	_ =	shalt  }
0x56: {  	_ =	shalt  }
0x57: {  	_ =	shalt  }
0x58: {  	_ =	shalt  }
0x59: {  	_ =	shalt  }
0x5a: {  	_ =	shalt  }
0x5b: {  	_ =	shalt  }
0x5c: {  	_ =	shalt  }
0x5d: {  	_ =	shalt  }
0x5e: {  	_ =	shalt  }
0x5f: {  	_ =	shalt  }
0x60: {  	_ =	shalt  }
0x61: {  	_ =	shalt  }
0x62: {  	_ =	shalt  }
0x63: {  	_ =	shalt  }
0x64: {  	_ =	shalt  }
0x65: {  	_ =	shalt  }
0x66: {  	_ =	shalt  }
0x67: {  	_ =	shalt  }
0x68: {  	_ =	shalt  }
0x69: {  	_ =	shalt  }
0x6a: {  	_ =	shalt  }
0x6b: {  	_ =	shalt  }
0x6c: {  	_ =	shalt  }
0x6d: {  	_ =	shalt  }
0x6e: {  	_ =	shalt  }
0x6f: {  	_ =	shalt  }
0x70: {  	_ =	shalt  }
0x71: {  	_ =	shalt  }
0x72: {  	_ =	shalt  }
0x73: {  	_ =	shalt  }
0x74: {  	_ =	shalt  }
0x75: {  	_ =	shalt  }
0x76: {  	_ =	shalt  }
0x77: {  	_ =	shalt  }
0x78: {  	_ =	shalt  }
0x79: {  	_ =	shalt  }
0x7a: {  	_ =	shalt  }
0x7b: {  	_ =	shalt  }
0x7c: {  	_ =	shalt  }
0x7d: {  	_ =	shalt  }
0x7e: {  	_ =	shalt  }
0x7f: {  	_ =	shalt  }
0x80: {  	_ =	shalt  }
0x81: {  	_ =	shalt  }
0x82: {  	_ =	shalt  }
0x83: {  	_ =	shalt  }
0x84: {  	_ =	shalt  }
0x85: {  	_ =	shalt  }
0x86: {  	_ =	shalt  }
0x87: {  	_ =	shalt  }
.Lfunc_end0:
.L_simem_size_0:
called_computation_lowered:
.L_overlay_start_0:
0x88: {  	s2 =	sld [smem:$0x3FD9]  }
0x89: {  	s3 =	sld [smem:$0x3FFE];
	_ =	sdelay $0x1  }
0x8a: {  	s1 =	srdreg.scid  }
0x8b: {  	s0 =	sand.u32 $0x1, s1  }
0x8c: {  	s17 =	sshll.u32 s0, $0xA;
	s2 =	sadd.s32 s3, s2  }
0x8d: {  	s2 =	sadd.s32 s2, s17  }
0x8e: {  	[smem:$0x3FC2] =	sst s2  }
0x8f: {  	_ = 	snop  }
0x90: {  	s2 =	sld [smem:$0x3FD0];
	(tm) =	ssettm $0x1  }
0x91: {  	s18 =	sld [smem:$0x3FFB];
	_ =	sdelay $0x3  }
0x92: {  	_ =	strace s18  }
0x93: {  	s3 =	sld [smem:$0x3FFC];
	_ =	sdelay $0x3  }
0x94: {  	_ =	strace s3  }
0x95: {  	s3 =	sld [smem:$0x3FFD];
	_ =	sdelay $0x3  }
0x96: {  	_ =	strace s3  }
0x97: {  	_ =	strace $0x8FFFFFFF  }
0x98: {  	s19 =	sld [smem:$0x3FDB];
	_ =	sdelay $0x1  }
0x99: {  	s4 =	simm.s32 $_scs_section_size  }
0x9a: {  	s5 =	simm.s32 $_size__tile_overlayer_lowered;
	s6 =	simm.s32 $_tile_overlayer_lowered  }
0x9b: {  	s22 =	simm.s32 $0x1BFF;
	s21 =	sshll.u32 s6, $0x1;
	s3 =	sadd.s32 s4, s19  }
0x9c: {  	s7 =	simm.s32 $0x0;
	s20 =	sshll.u32 s5, $0x1;
	s5 =	sadd.s32 s21, s3  }
0x9d: {  	[timem:s7], [sflag:s22] =	dma.local [hbm:s5], s20  }
0x9e: {  	_ =	swait.ge [sflag:s22], s20  }
0x9f: {  	s4 =	ssub.s32 $0x0, s20;
	[sflag:s22] =	ssyncset.done $0x0  }
0xa0: {  	[sflag:s22] =	ssyncadd.s32 s4;
	_ =	sdelay $0x1  }
0xa1: {  	s23 =	simm.s32 $0x1B8B  }
0xa2: {  	_ =	swait.ge [sflag:s23], $0x1  }
0xa3: {  	[sflag:s23] =	ssyncset.done $0x0  }
0xa4: {  	s25 =	simm.s32 $0x1B8E;
	s24 =	sld [smem:$0x3FFE];
	[sflag:s23] =	ssyncadd.s32 $0xFFFFFFFF  }
0xa5: {  	s26 =	simm.s32 $execute0_lowered;
	[smem:$0x3FD2] =	sst s25  }
0xa6: {  	s5 =	sshll.u32 s26, $0x1;
	_ =	strace $0x80000046;
	[dreg:$0x1] =	wrdreg $0xFFFFFFFF  }
0xa7: {  	s28 =	simm.s32 $_size_execute0_lowered;
	s3 =	sadd.s32 s3, s5;
	[dreg:$0x0] =	wrdreg $0x0  }
0xa8: {  	s5 =	sshll.u32 s28, $0x1;
	[dreg:$0x2] =	wrdreg s3  }
0xa9: {  	[dreg:$0x3] =	wrdreg s5  }
0xaa: {  	[dreg:$0x4] =	wrdreg $0xC0  }
0xab: {  	_ =	task [dreg:s7], $0x5FFFF  }
0xac: {  	[dreg:$0x1] =	wrdreg $0xFFFFFFFF  }
0xad: {  	[dreg:$0x0] =	wrdreg $0x60  }
0xae: {  	[dreg:$0x2] =	wrdreg s2  }
0xaf: {  	[dreg:$0x3] =	wrdreg s24  }
0xb0: {  	[dreg:$0x4] =	wrdreg $0x28800  }
0xb1: {  	[dreg:$0x5] =	wrdreg $0x9  }
0xb2: {  	_ =	task.clear_ibuf [dreg:s7], $0x6FFFF;
	_ =	strace $0x90000046  }
0xb3: {  	s29 =	simm.s32 $0x9;
	_ =	strace $0x80000048  }
0xb4: {  	_ =	swait.ge [sflag:s29], $0x1  }
0xb5: {  	[sflag:s29] =	ssyncadd.s32 $0xFFFFFFFF  }
0xb6: {  	_ =	strace $0x90000048  }
0xb7: {  	_ =	sfence  }
0xb8: {  	s30 =	sld [smem:$0x0];
	_ =	sdelay $0x2  }
0xb9: {  	s31 =	sshll.u32 s1, $0xD;
	s1 =	sshrl.u32 s1, $0x2  }
0xba: {  	s3 =	sand.u32 $0x4000, s31;
	s1 =	sadd.s32 s1, s30  }
0xbb: {  	s0 =	sor.u32 s3, s0;
	s1 =	sshll.u32 s1, $0x11  }
0xbc: {  	s0 =	sor.u32 s1, s0  }
0xbd: {  	s0 =	sadd.s32 $0x8F2B, s0  }
0xbe: {  	[sflag:s0] =	ssyncadd.remote.s32 $0x1  }
0xbf: {  	_ =	sfence.sel $0xFFFF  }
0xc0: {  	[dreg:$0x0] =	wrdreg $0xFFFFFFFF;
	(pc) =	sbr.abs _section_cstart, $3  }
0xc1: {  	[dreg:$0x1] =	wrdreg $0xFFFFFFFF  }
0xc2: {  	_ =	task.clear_ibuf [dreg:s7], $0x2FFFF;
	_ =	strace $0x9FFFFFFF  }
0xc3: {  	(tm) =	ssettm $0x7FFFFFFF  }
tec
execute0_lowered:
.L_overlay_start_1:
0x0: {  	(tag) =	ssettag $0x1  }
0x1: {  	s7 =	rddreg [dreg:$0x0]  }
0x2: {  	s6 =	rddreg [dreg:$0x1]  }
0x3: {  	s2 =	rddreg [dreg:$0x2]  }
0x4: {  	s0 =	rddreg [dreg:$0x3];
	s4 =	srdreg.scid  }
0x5: {  	s1 =	stileid.u32;
	s3 =	simm.s32 $0x0;
	s13 =	simm.s32 $0x80  }
0x6: {  	s14 =	simm.s32 $0x20;
	s15 =	simm.s32 $0x10;
	s16 =	simm.s32 $0x0  }
0x7: {  	s8 =	sand.u32 $0x1, s4;
	s5 =	smul.u32 $0x500, s1;
	[smem:$0x7FF] =	sst s3  }
0x8: {  	s4 =	sadd.s32 $0x3800, s6;
	s11 =	smul.u32 $0xA00, s1;
	s31 =	sshll.u32 s1, $0x6  }
0x9: {  	s9 =	sshll.u32 s8, $0x7;
	_ =	strace $0x80000047;
	s10 =	sshll.u32 s8, $0x4  }
0xa: {  	s8 =	ssub.s32 $0x2, s8;
	s9 =	sor.u32 s9, s5;
	s5 =	sadd.s32 $0x3600, s6  }
0xb: {  	s10 =	sor.u32 s1, s10;
	s29 =	sshrl.u32 s8, $0x1;
	s30 =	sshrl.u32 s11, $0x2  }
0xc: {  	s9 =	sshrl.u32 s9, $0x3;
	s10 =	smul.u32 $0x500, s10;
	s12 =	ssub.s32 s8, s29  }
0xd: {  	s11 =	sadd.s32 s30, s2;
	s9 =	sadd.s32 s9, s6;
	s6 =	sor.u32 $0x1C01, s31  }
0xe: {  	s7 =	sadd.s32 s7, s10;
	s8 =	sadd.s32 $0x3A00, s9;
	s9 =	smax.u32 s12, $0x1  }
0xf: {  	s10 =	sshrl.u32 s11, $0x3;
	s11 =	simm.s32 $0x1;
	s12 =	simm.s32 $0x2800  }
.LBB2_1:
0x10: {  	[spmem:s10], [sflag:s6] =	dma.local [hbm:s4], $0x50  }
0x11: {  	_ =	swait.ge [sflag:s11], $0x50  }
0x12: {  	[sflag:s11] =	ssyncset.done $0x0  }
0x13: {  	[sflag:s11] =	ssyncadd.s32 $0xFFFFFFB0  }
0x14: {  	[tilespmem:s12], [sflag:$0x1] =	stream.linear.gather [hbm4b:s5+s3], $0x80, $0x38;
	[tilespmem:$0x2B00] =	vst v63  }
0x15: {  	_ =	swait.ge [sflag:s11], $0x80  }
0x16: {  	[sflag:s11] =	ssyncset.done $0x0  }
0x17: {  	[sflag:s11] =	ssyncadd.s32 $0xFFFFFF80  }
0x18: {  	[tilespmem:s3], [sflag:$0x1] =	stream.linear.gather [hbm4b:s7+s3], $0x2800, $0x38;
	[tilespmem:$0x2B00] =	vst v63  }
0x19: {  	_ =	swait.ge [sflag:s11], $0x2800  }
0x1a: {  	[sflag:s11] =	ssyncset.done $0x0  }
0x1b: {  	[sflag:s11] =	ssyncadd.s32 $0xFFFFD800  }
0x1c: {  	s17 =	simm.s32 $0x0;
	[bflag:$0x0] =	sbarrier.arrive $0xFFFF  }
0x1d: {  	[spmem:s2] =	stream.indirect.scatter.add.f32 [tilespmem:s12], [sflag:$0x1], $0x1, s17, s13, $0xb8;
	[tilespmem:$0x2B00] =	vst v63  }
0x1e: {  	_ =	swait.ge [sflag:s11], $0x80  }
0x1f: {  	s17 =	simm.s32 $0x200;
	[sflag:s11] =	ssyncset.done $0x0  }
.LBB2_2:
0x20: {  	s18 =	sshra.s32 s17, $0x2;
	[sflag:s11] =	ssyncadd.s32 $0xFFFFFF80;
	p0 =	sne.s32 s17, $0x9E00  }
0x21: {  	[spmem:s2] =	stream.indirect.scatter.add.f32 [tilespmem:s12], [sflag:$0x1], $0x1, s18, s13, $0xb8;
	[tilespmem:$0x2B00] =	vst v63  }
.Ltmp0:
0x22: {  	_ = 	snop;
	(pc) =	sbr.rel @p0 .LBB2_2-.Ltmp0, $4  }
0x23: {  	_ = 	snop  }
0x24: {  	s17 =	sadd.s32 $0x200, s17  }
0x25: {  	_ =	swait.ge [sflag:s11], $0x80  }
0x26: {  	[sflag:s11] =	ssyncset.done $0x0  }
0x27: {  	s16 =	sadd.s32 $0x1, s16  }
0x28: {  	[sflag:s11] =	ssyncadd.s32 $0xFFFFFF80;
	p0 =	sne.s32 s16, s9  }
.Ltmp1:
0x29: {  	[bflag:$0x0] =	sbarrier.arrive $0xFFFF;
	(pc) =	sbr.rel @p0 .LBB2_1-.Ltmp1, $4  }
0x2a: {  	[hbm:s8@s14], [sflag:s6] =	dma.strided [spmem:s10@s15], $0x50, s11, $0x10   }
0x2b: {  	_ =	swait.ge [sflag:s11], $0x50  }
0x2c: {  	[sflag:s11] =	ssyncset.done $0x0  }
0x2d: {  	[sflag:s11] =	ssyncadd.s32 $0xFFFFFFB0  }
0x2e: {  	_ =	sfence.sel $0x180000  }
0x2f: {  	[bflag:$0x0] =	sbarrier.arrive $0xFFFF  }
0x30: {  	p0 =	sne.s32 s1, $0x0;
	_ =	strace $0x90000047  }
0x31: {  	s0 =	sadd.s32 @!p0 $0x100000, s0;
	[bflag:$0x2] =	sbarrier.arrive $0xFFFF  }
0x32: {  	[sflag:s0] =	ssyncadd.tile.s32 @!p0 $0x1;
	_ =	shalt  }
.Lfunc_end2:
_tile_overlayer_lowered:
.L_overlay_start_2:
0x33: {  	(tag) =	ssettag $0x2  }
0x34: {  	s0 =	rddreg [dreg:$0x0];
	s2 =	stileid.u32  }
0x35: {  	s1 =	rddreg [dreg:$0x1];
	p0 =	sne.s32 s2, $0x0  }
0x36: {  	s3 =	rddreg [dreg:$0x2];
	[bflag:$0x3] =	sbarrier.arrive $0xFFFF;
	s2 =	simm.s32 @!p0 $0x1C01  }
0x37: {  	[timem:s3], [sflag:s2] =	dma.local @!p0 [hbm:s0], s1  }
0x38: {  	s0 =	simm.s32 @!p0 $0x1  }
0x39: {  	_ =	swait.ge @!p0 [sflag:s0], s1  }
0x3a: {  	s1 =	ssub.s32 @!p0 $0x0, s1;
	[sflag:s0] =	ssyncset.done @!p0 $0x0  }
0x3b: {  	[sflag:s0] =	ssyncadd.s32 @!p0 s1  }
0x3c: {  	[bflag:$0x3] =	sbarrier.arrive $0xFFFF  }
0x3d: {  	_ =	shalt  }

</sc_bundles>
